<compile_context>
chip_gen: v7x
topology: tpu7x:2x2x1
jax: 0.10.2.dev20260603
libtpu: 0.0.44.dev20260713+nightly
codegen_flags: <defaults>
</compile_context>

<pallas_src>
import functools

import jax
import jax.numpy as jnp
from jax import lax
from jax.experimental import pallas as pl
from jax.experimental.pallas import tpu as pltpu
from jax.experimental.pallas import tpu_sc as plsc

N = 2048
IN_SZ = 128
OUT_SZ = 64
OUT_BASE = N - OUT_SZ
L = 16
NS = 16


def _tanh16(x):
    ex = jnp.exp(-2.0 * jnp.abs(x))
    return jnp.sign(x) * (1.0 - ex) / (1.0 + ex)


def _brain_sc(edge_index, weights, input_data, biases, zeros):
    e = weights.shape[0]
    batch = input_data.shape[0]
    e_per = e // NS
    chunks = e_per // L
    act_sz = batch * N
    out_sz = batch * OUT_SZ
    red_per = act_sz // NS
    outred_per = out_sz // NS
    mesh = plsc.VectorSubcoreMesh(
        core_axis_name="c", subcore_axis_name="s", num_cores=1, num_subcores=NS
    )

    @functools.partial(
        pl.kernel,
        out_type=jax.ShapeDtypeStruct((batch, OUT_SZ), jnp.float32),
        mesh=mesh,
        compiler_params=pltpu.CompilerParams(needs_layout_passes=False),
        scratch_types=[
            pltpu.VMEM((e_per,), jnp.int32),
            pltpu.VMEM((e_per,), jnp.int32),
            pltpu.VMEM((e_per,), jnp.float32),
            pltpu.VMEM((batch, IN_SZ), jnp.float32),
            pltpu.VMEM((act_sz,), jnp.float32),
            pltpu.VMEM((act_sz,), jnp.float32),
            pltpu.VMEM((NS, red_per), jnp.float32),
            pltpu.VMEM((red_per,), jnp.float32),
            pltpu.VMEM((out_sz,), jnp.float32),
            pltpu.VMEM((NS * out_sz,), jnp.float32),
            pltpu.VMEM((OUT_SZ,), jnp.float32),
            pltpu.VMEM((e_per + L,), jnp.int32),
            pltpu.VMEM((e_per + L,), jnp.int32),
            pltpu.VMEM((e_per + L,), jnp.float32),
            pltpu.VMEM((e_per + L,), jnp.int32),
            pltpu.VMEM((e_per + L,), jnp.int32),
            pltpu.VMEM((e_per + L,), jnp.float32),
            pltpu.VMEM_SHARED((NS, act_sz), jnp.float32),
            pltpu.VMEM_SHARED((act_sz,), jnp.float32),
            pltpu.VMEM_SHARED((NS * out_sz,), jnp.float32),
            pltpu.SemaphoreType.DMA,
        ],
    )
    def run(edge_hbm, w_hbm, in_hbm, b_hbm, z_hbm, out_hbm,
            src_v, dst_v, w_v, in_v, part_v, act1_v, red_v, slice_v,
            outp_v, outred_v, fin_v, cs1, cd1, cw1, cs2, cd2, cw2,
            parts_sh, act1_sh, outparts_sh, sem):
        tid = lax.axis_index("s")
        ebase = tid * e_per
        rbase = tid * red_per

        copies = [
            pltpu.async_copy(edge_hbm.at[0, pl.ds(ebase, e_per)], src_v, sem),
            pltpu.async_copy(edge_hbm.at[1, pl.ds(ebase, e_per)], dst_v, sem),
            pltpu.async_copy(w_hbm.at[pl.ds(ebase, e_per)], w_v, sem),
            pltpu.async_copy(in_hbm, in_v, sem),
            pltpu.async_copy(z_hbm.at[pl.ds(0, act_sz)], part_v, sem),
            pltpu.async_copy(z_hbm.at[pl.ds(0, out_sz)], outp_v, sem),
            pltpu.async_copy(b_hbm.at[pl.ds(rbase % N, red_per)], slice_v, sem),
        ]
        with jax.named_scope("stage_wait"):
            for c in copies:
                c.wait()

        def classify(i, carry):
            c1, c2 = carry
            s = src_v[pl.ds(i * L, L)]
            d = dst_v[pl.ds(i * L, L)]
            w = w_v[pl.ds(i * L, L)]
            m1 = s < IN_SZ
            plsc.store_compressed(cs1.at[pl.ds(c1, L)], s, mask=m1)
            plsc.store_compressed(cd1.at[pl.ds(c1, L)], d, mask=m1)
            plsc.store_compressed(cw1.at[pl.ds(c1, L)], w, mask=m1)
            m2 = d >= OUT_BASE
            plsc.store_compressed(cs2.at[pl.ds(c2, L)], s, mask=m2)
            plsc.store_compressed(cd2.at[pl.ds(c2, L)], d, mask=m2)
            plsc.store_compressed(cw2.at[pl.ds(c2, L)], w, mask=m2)
            n1 = jnp.max(plsc.all_reduce_population_count(m1))
            n2 = jnp.max(plsc.all_reduce_population_count(m2))
            return (c1 + n1, c2 + n2)

        with jax.named_scope("classify"):
            c1, c2 = lax.fori_loop(
                0, chunks, classify, (jnp.int32(0), jnp.int32(0))
            )

        lanes = jnp.arange(L, dtype=jnp.int32)

        def step1(i, _):
            m = lanes < (c1 - i * L)
            s = jnp.where(m, cs1[pl.ds(i * L, L)], 0)
            d = jnp.where(m, cd1[pl.ds(i * L, L)], 0)
            w = cw1[pl.ds(i * L, L)]
            for bb in range(batch):
                row = jnp.full((L,), bb, jnp.int32)
                val = plsc.load_gather(in_v, [row, s]) * w
                plsc.addupdate_scatter(part_v, [d + (bb * N)], val, mask=m)
            return 0

        with jax.named_scope("step1"):
            lax.fori_loop(0, (c1 + L - 1) // L, step1, 0)

        with jax.named_scope("publish1"):
            pltpu.sync_copy(part_v, parts_sh.at[tid])
            plsc.subcore_barrier()
            pltpu.sync_copy(parts_sh.at[:, pl.ds(rbase, red_per)], red_v)

        def reduce1(i, _):
            acc = red_v[0, pl.ds(i * L, L)]
            for p in range(1, NS):
                acc = acc + red_v[p, pl.ds(i * L, L)]
            slice_v[pl.ds(i * L, L)] = _tanh16(acc + slice_v[pl.ds(i * L, L)])
            return 0

        with jax.named_scope("reduce1"):
            lax.fori_loop(0, red_per // L, reduce1, 0)

        with jax.named_scope("act1x"):
            pltpu.sync_copy(slice_v, act1_sh.at[pl.ds(rbase, red_per)])
            plsc.subcore_barrier()
            pltpu.sync_copy(act1_sh, act1_v)

        def step2(i, _):
            m = lanes < (c2 - i * L)
            s = jnp.where(m, cs2[pl.ds(i * L, L)], 0)
            j = jnp.where(m, cd2[pl.ds(i * L, L)] - OUT_BASE, 0)
            w = cw2[pl.ds(i * L, L)]
            for bb in range(batch):
                val = plsc.load_gather(act1_v, [s + (bb * N)]) * w
                plsc.addupdate_scatter(outp_v, [j + (bb * OUT_SZ)], val, mask=m)
            return 0

        with jax.named_scope("step2"):
            lax.fori_loop(0, (c2 + L - 1) // L, step2, 0)

        pltpu.sync_copy(outp_v, outparts_sh.at[pl.ds(tid * out_sz, out_sz)])
        plsc.subcore_barrier()

        @pl.when(tid < batch)
        def _():
            pltpu.sync_copy(outparts_sh, outred_v)
            pltpu.sync_copy(b_hbm.at[pl.ds(OUT_BASE, OUT_SZ)],
                            fin_v)
            obase = tid * OUT_SZ
            for i in range(OUT_SZ // L):
                acc = fin_v[pl.ds(i * L, L)]
                for p in range(NS):
                    acc = acc + outred_v[pl.ds(p * out_sz + obase + i * L, L)]
                fin_v[pl.ds(i * L, L)] = _tanh16(acc)
            pltpu.sync_copy(fin_v, out_hbm.at[tid])

    return run(edge_index, weights, input_data, biases, zeros)


def kernel(input_data, edge_index, connection_weights, biases):
    b = input_data.shape[0]
    zeros = jnp.zeros((b * N,), jnp.float32)
    return _brain_sc(edge_index, connection_weights, input_data, biases, zeros)

# --- scband reference (transcript-rebuilt; emitter-appended) ---
"""Pipeline reference for scband-brain-3624952398012 (READ-ONLY COPY).

The authoritative reference and input builder live on the scoring server;
editing this copy changes nothing except your own understanding.
"""

import jax, jax.numpy as jnp
import numpy as np

NEURON_COUNT = 2048
INPUT_SIZE = 128
OUTPUT_SIZE = 64
SYNAPSE_RATIO = 10
STEPS = 2
N_EDGES = NEURON_COUNT * SYNAPSE_RATIO


def setup_inputs(seed: int = 0) -> dict:
    key = jax.random.key(seed)
    k1, k2, k3, k4 = jax.random.split(key, 4)
    input_data = jax.random.normal(k1, (4, INPUT_SIZE), dtype=jnp.float32)
    # Random sparse connectivity standing in for the distance-based rejection
    # sampling done in Brain._initConnections (expected edge count = N * SYNAPSE_RATIO).
    src = jax.random.randint(k2, (N_EDGES,), 0, NEURON_COUNT, dtype=jnp.int32)
    dst = jax.random.randint(k3, (N_EDGES,), 0, NEURON_COUNT, dtype=jnp.int32)
    edge_index = jnp.stack([src, dst], axis=0)
    connection_weights = jax.random.normal(k4, (N_EDGES,), dtype=jnp.float32) * 0.1
    biases = jnp.zeros((NEURON_COUNT,), dtype=jnp.float32)
    return {
        "input_data": input_data,
        "edge_index": edge_index,
        "connection_weights": connection_weights,
        "biases": biases,
    }


def reference(input_data, edge_index, connection_weights, biases):
    src = edge_index[0]
    dst = edge_index[1]
    B = input_data.shape[0]
    # activations reset per batch element; vectorized over batch.
    act = jnp.zeros((B, NEURON_COUNT), dtype=input_data.dtype)
    act = act.at[:, :INPUT_SIZE].set(input_data)
    for _ in range(STEPS):
        # message passing: new_activations[to] += w[i] * prev_activations[from]
        msg = act[:, src] * connection_weights[None, :]
        new_act = jnp.zeros((B, NEURON_COUNT), dtype=act.dtype).at[:, dst].add(msg)
        act = jnp.tanh(new_act + biases[None, :])
    # outputs are the activations of the last OUTPUT_SIZE neurons
    return act[:, -OUTPUT_SIZE:]

if __name__ == "__main__":
    import jax
    _d = setup_inputs()
    print(jax.jit(kernel)(*tuple(_d.values())))

</pallas_src>

<mosaic_0001>
#map = affine_map<(d0, d1) -> (0, 0)>
#map1 = affine_map<(d0, d1) -> (0)>
module attributes {stable_mosaic.version = 14 : i64} {
  func.func @run(%arg0: i32, %arg1: i32, %arg2: memref<2x20480xi32, #tpu.memory_space<hbm>>, %arg3: memref<20480xf32, #tpu.memory_space<hbm>>, %arg4: memref<4x128xf32, #tpu.memory_space<hbm>>, %arg5: memref<2048xf32, #tpu.memory_space<hbm>>, %arg6: memref<8192xf32, #tpu.memory_space<hbm>>, %arg7: memref<4x64xf32, #tpu.memory_space<hbm>>, %arg8: memref<1280xi32, #tpu.memory_space<vmem>>, %arg9: memref<1280xi32, #tpu.memory_space<vmem>>, %arg10: memref<1280xf32, #tpu.memory_space<vmem>>, %arg11: memref<4x128xf32, #tpu.memory_space<vmem>>, %arg12: memref<8192xf32, #tpu.memory_space<vmem>>, %arg13: memref<8192xf32, #tpu.memory_space<vmem>>, %arg14: memref<16x512xf32, #tpu.memory_space<vmem>>, %arg15: memref<512xf32, #tpu.memory_space<vmem>>, %arg16: memref<256xf32, #tpu.memory_space<vmem>>, %arg17: memref<4096xf32, #tpu.memory_space<vmem>>, %arg18: memref<64xf32, #tpu.memory_space<vmem>>, %arg19: memref<1296xi32, #tpu.memory_space<vmem>>, %arg20: memref<1296xi32, #tpu.memory_space<vmem>>, %arg21: memref<1296xf32, #tpu.memory_space<vmem>>, %arg22: memref<1296xi32, #tpu.memory_space<vmem>>, %arg23: memref<1296xi32, #tpu.memory_space<vmem>>, %arg24: memref<1296xf32, #tpu.memory_space<vmem>>, %arg25: memref<16x8192xf32, #tpu.memory_space<vmem_shared>>, %arg26: memref<8192xf32, #tpu.memory_space<vmem_shared>>, %arg27: memref<4096xf32, #tpu.memory_space<vmem_shared>>, %arg28: memref<!tpu.dma_semaphore, #tpu.memory_space<semaphore_mem>>) attributes {dimension_semantics = [#tpu.dimension_semantics<core_parallel>, #tpu.dimension_semantics<subcore_parallel>], iteration_bounds = array<i64: 1, 16>, scalar_prefetch = 0 : i64, scratch_operands = 21 : i64, tpu.core_type = #tpu.core_type<sc_vector_subcore>, window_params = [{transform_indices = #map}, {transform_indices = #map1}, {transform_indices = #map}, {transform_indices = #map1}, {transform_indices = #map1}, {transform_indices = #map}]} {
    %mul3A = arith.constant 1280 : i32
    %mul3A_0 = arith.muli %arg1, %mul3A : i32
    %mul3A_1 = arith.constant 512 : i32
    %mul3A_2 = arith.muli %arg1, %mul3A_1 : i32
    %dma_start3A = arith.constant 0 : i32
    %dma_start3A_3 = tpu.memref_slice %arg2[%dma_start3A, %mul3A_0] : memref<2x20480xi32, #tpu.memory_space<hbm>> -> memref<1x1280xi32, #tpu.memory_space<hbm>>
    %dma_start3A_4 = tpu.memref_squeeze %dma_start3A_3 : memref<1x1280xi32, #tpu.memory_space<hbm>> -> memref<1280xi32, #tpu.memory_space<hbm>>
    %dma_start3A_5 = tpu.memref_slice %arg2[%dma_start3A, %mul3A_0] : memref<2x20480xi32, #tpu.memory_space<hbm>> -> memref<1x1280xi32, #tpu.memory_space<hbm>>
    %dma_start3A_6 = tpu.memref_squeeze %dma_start3A_5 : memref<1x1280xi32, #tpu.memory_space<hbm>> -> memref<1280xi32, #tpu.memory_space<hbm>>
    tpu.enqueue_dma source(%dma_start3A_6 : memref<1280xi32, #tpu.memory_space<hbm>>) target(%arg8 : memref<1280xi32, #tpu.memory_space<vmem>>) target_semaphore(%arg28 : memref<!tpu.dma_semaphore, #tpu.memory_space<semaphore_mem>>)
    %dma_start3A_7 = arith.constant 1 : i32
    %dma_start3A_8 = tpu.memref_slice %arg2[%dma_start3A_7, %mul3A_0] : memref<2x20480xi32, #tpu.memory_space<hbm>> -> memref<1x1280xi32, #tpu.memory_space<hbm>>
    %dma_start3A_9 = tpu.memref_squeeze %dma_start3A_8 : memref<1x1280xi32, #tpu.memory_space<hbm>> -> memref<1280xi32, #tpu.memory_space<hbm>>
    %dma_start3A_10 = tpu.memref_slice %arg2[%dma_start3A_7, %mul3A_0] : memref<2x20480xi32, #tpu.memory_space<hbm>> -> memref<1x1280xi32, #tpu.memory_space<hbm>>
    %dma_start3A_11 = tpu.memref_squeeze %dma_start3A_10 : memref<1x1280xi32, #tpu.memory_space<hbm>> -> memref<1280xi32, #tpu.memory_space<hbm>>
    tpu.enqueue_dma source(%dma_start3A_11 : memref<1280xi32, #tpu.memory_space<hbm>>) target(%arg9 : memref<1280xi32, #tpu.memory_space<vmem>>) target_semaphore(%arg28 : memref<!tpu.dma_semaphore, #tpu.memory_space<semaphore_mem>>)
    %dma_start3A_12 = tpu.memref_slice %arg3[%mul3A_0] : memref<20480xf32, #tpu.memory_space<hbm>> -> memref<1280xf32, #tpu.memory_space<hbm>>
    %dma_start3A_13 = tpu.memref_slice %arg3[%mul3A_0] : memref<20480xf32, #tpu.memory_space<hbm>> -> memref<1280xf32, #tpu.memory_space<hbm>>
    tpu.enqueue_dma source(%dma_start3A_13 : memref<1280xf32, #tpu.memory_space<hbm>>) target(%arg10 : memref<1280xf32, #tpu.memory_space<vmem>>) target_semaphore(%arg28 : memref<!tpu.dma_semaphore, #tpu.memory_space<semaphore_mem>>)
    tpu.enqueue_dma source(%arg4 : memref<4x128xf32, #tpu.memory_space<hbm>>) target(%arg11 : memref<4x128xf32, #tpu.memory_space<vmem>>) target_semaphore(%arg28 : memref<!tpu.dma_semaphore, #tpu.memory_space<semaphore_mem>>)
    %dma_start3A_14 = arith.constant 0 : i32
    %dma_start3A_15 = tpu.memref_slice %arg6[%dma_start3A_14] : memref<8192xf32, #tpu.memory_space<hbm>> -> memref<8192xf32, #tpu.memory_space<hbm>>
    %dma_start3A_16 = arith.constant 0 : i32
    %dma_start3A_17 = tpu.memref_slice %arg6[%dma_start3A_16] : memref<8192xf32, #tpu.memory_space<hbm>> -> memref<8192xf32, #tpu.memory_space<hbm>>
    tpu.enqueue_dma source(%dma_start3A_17 : memref<8192xf32, #tpu.memory_space<hbm>>) target(%arg12 : memref<8192xf32, #tpu.memory_space<vmem>>) target_semaphore(%arg28 : memref<!tpu.dma_semaphore, #tpu.memory_space<semaphore_mem>>)
    %dma_start3A_18 = arith.constant 0 : i32
    %dma_start3A_19 = tpu.memref_slice %arg6[%dma_start3A_18] : memref<8192xf32, #tpu.memory_space<hbm>> -> memref<256xf32, #tpu.memory_space<hbm>>
    %dma_start3A_20 = arith.constant 0 : i32
    %dma_start3A_21 = tpu.memref_slice %arg6[%dma_start3A_20] : memref<8192xf32, #tpu.memory_space<hbm>> -> memref<256xf32, #tpu.memory_space<hbm>>
    tpu.enqueue_dma source(%dma_start3A_21 : memref<256xf32, #tpu.memory_space<hbm>>) target(%arg16 : memref<256xf32, #tpu.memory_space<vmem>>) target_semaphore(%arg28 : memref<!tpu.dma_semaphore, #tpu.memory_space<semaphore_mem>>)
    %jit3A = arith.constant 2048 : i32
    %eq3A = arith.constant 0 : i32
    %eq3A_22 = arith.cmpi eq, %jit3A, %eq3A : i32
    %jit3A_23 = arith.constant 1 : i32
    %select_n3A = arith.select %eq3A_22, %jit3A_23, %jit3A : i32
    %rem3A = arith.remsi %mul3A_2, %select_n3A : i32
    %ne3A = arith.constant 0 : i32
    %ne3A_24 = arith.cmpi ne, %rem3A, %ne3A : i32
    %lt3A = arith.constant 0 : i32
    %lt3A_25 = arith.cmpi slt, %rem3A, %lt3A : i32
    %lt3A_26 = arith.constant 0 : i32
    %lt3A_27 = arith.cmpi slt, %select_n3A, %lt3A_26 : i32
    %ne3A_28 = arith.xori %lt3A_25, %lt3A_27 : i1
    %and3A = arith.andi %ne3A_28, %ne3A_24 : i1
    %add3A = arith.addi %rem3A, %select_n3A : i32
    %select_n3A_29 = arith.select %and3A, %add3A, %rem3A : i32
    %dma_start3A_30 = tpu.memref_slice %arg5[%select_n3A_29] : memref<2048xf32, #tpu.memory_space<hbm>> -> memref<512xf32, #tpu.memory_space<hbm>>
    %dma_start3A_31 = tpu.memref_slice %arg5[%select_n3A_29] : memref<2048xf32, #tpu.memory_space<hbm>> -> memref<512xf32, #tpu.memory_space<hbm>>
    tpu.enqueue_dma source(%dma_start3A_31 : memref<512xf32, #tpu.memory_space<hbm>>) target(%arg15 : memref<512xf32, #tpu.memory_space<vmem>>) target_semaphore(%arg28 : memref<!tpu.dma_semaphore, #tpu.memory_space<semaphore_mem>>)
    %dma_wait3A = arith.constant 0 : i32
    "tpu.trace_start"() <{level = 10 : i32, message = "stage_wait"}> : () -> ()
    %dma_wait3A_32 = tpu.memref_slice %arg2[%dma_wait3A, %mul3A_0] : memref<2x20480xi32, #tpu.memory_space<hbm>> -> memref<1x1280xi32, #tpu.memory_space<hbm>>
    %dma_wait3A_33 = tpu.memref_squeeze %dma_wait3A_32 : memref<1x1280xi32, #tpu.memory_space<hbm>> -> memref<1280xi32, #tpu.memory_space<hbm>>
    %dma_wait3A_34 = tpu.memref_slice %arg2[%dma_wait3A, %mul3A_0] : memref<2x20480xi32, #tpu.memory_space<hbm>> -> memref<1x1280xi32, #tpu.memory_space<hbm>>
    %dma_wait3A_35 = tpu.memref_squeeze %dma_wait3A_34 : memref<1x1280xi32, #tpu.memory_space<hbm>> -> memref<1280xi32, #tpu.memory_space<hbm>>
    tpu.wait_dma2 semaphore(%arg28 : memref<!tpu.dma_semaphore, #tpu.memory_space<semaphore_mem>>) src(%dma_wait3A_35 : memref<1280xi32, #tpu.memory_space<hbm>>) dst(%arg8 : memref<1280xi32, #tpu.memory_space<vmem>>)
    %dma_wait3A_36 = arith.constant 1 : i32
    %dma_wait3A_37 = tpu.memref_slice %arg2[%dma_wait3A_36, %mul3A_0] : memref<2x20480xi32, #tpu.memory_space<hbm>> -> memref<1x1280xi32, #tpu.memory_space<hbm>>
    %dma_wait3A_38 = tpu.memref_squeeze %dma_wait3A_37 : memref<1x1280xi32, #tpu.memory_space<hbm>> -> memref<1280xi32, #tpu.memory_space<hbm>>
    %dma_wait3A_39 = tpu.memref_slice %arg2[%dma_wait3A_36, %mul3A_0] : memref<2x20480xi32, #tpu.memory_space<hbm>> -> memref<1x1280xi32, #tpu.memory_space<hbm>>
    %dma_wait3A_40 = tpu.memref_squeeze %dma_wait3A_39 : memref<1x1280xi32, #tpu.memory_space<hbm>> -> memref<1280xi32, #tpu.memory_space<hbm>>
    tpu.wait_dma2 semaphore(%arg28 : memref<!tpu.dma_semaphore, #tpu.memory_space<semaphore_mem>>) src(%dma_wait3A_40 : memref<1280xi32, #tpu.memory_space<hbm>>) dst(%arg9 : memref<1280xi32, #tpu.memory_space<vmem>>)
    %dma_wait3A_41 = tpu.memref_slice %arg3[%mul3A_0] : memref<20480xf32, #tpu.memory_space<hbm>> -> memref<1280xf32, #tpu.memory_space<hbm>>
    %dma_wait3A_42 = tpu.memref_slice %arg3[%mul3A_0] : memref<20480xf32, #tpu.memory_space<hbm>> -> memref<1280xf32, #tpu.memory_space<hbm>>
    tpu.wait_dma2 semaphore(%arg28 : memref<!tpu.dma_semaphore, #tpu.memory_space<semaphore_mem>>) src(%dma_wait3A_42 : memref<1280xf32, #tpu.memory_space<hbm>>) dst(%arg10 : memref<1280xf32, #tpu.memory_space<vmem>>)
    tpu.wait_dma2 semaphore(%arg28 : memref<!tpu.dma_semaphore, #tpu.memory_space<semaphore_mem>>) src(%arg4 : memref<4x128xf32, #tpu.memory_space<hbm>>) dst(%arg11 : memref<4x128xf32, #tpu.memory_space<vmem>>)
    %dma_wait3A_43 = arith.constant 0 : i32
    %dma_wait3A_44 = tpu.memref_slice %arg6[%dma_wait3A_43] : memref<8192xf32, #tpu.memory_space<hbm>> -> memref<8192xf32, #tpu.memory_space<hbm>>
    %dma_wait3A_45 = arith.constant 0 : i32
    %dma_wait3A_46 = tpu.memref_slice %arg6[%dma_wait3A_45] : memref<8192xf32, #tpu.memory_space<hbm>> -> memref<8192xf32, #tpu.memory_space<hbm>>
    tpu.wait_dma2 semaphore(%arg28 : memref<!tpu.dma_semaphore, #tpu.memory_space<semaphore_mem>>) src(%dma_wait3A_46 : memref<8192xf32, #tpu.memory_space<hbm>>) dst(%arg12 : memref<8192xf32, #tpu.memory_space<vmem>>)
    %dma_wait3A_47 = arith.constant 0 : i32
    %dma_wait3A_48 = tpu.memref_slice %arg6[%dma_wait3A_47] : memref<8192xf32, #tpu.memory_space<hbm>> -> memref<256xf32, #tpu.memory_space<hbm>>
    %dma_wait3A_49 = arith.constant 0 : i32
    %dma_wait3A_50 = tpu.memref_slice %arg6[%dma_wait3A_49] : memref<8192xf32, #tpu.memory_space<hbm>> -> memref<256xf32, #tpu.memory_space<hbm>>
    tpu.wait_dma2 semaphore(%arg28 : memref<!tpu.dma_semaphore, #tpu.memory_space<semaphore_mem>>) src(%dma_wait3A_50 : memref<256xf32, #tpu.memory_space<hbm>>) dst(%arg16 : memref<256xf32, #tpu.memory_space<vmem>>)
    %dma_wait3A_51 = tpu.memref_slice %arg5[%select_n3A_29] : memref<2048xf32, #tpu.memory_space<hbm>> -> memref<512xf32, #tpu.memory_space<hbm>>
    %dma_wait3A_52 = tpu.memref_slice %arg5[%select_n3A_29] : memref<2048xf32, #tpu.memory_space<hbm>> -> memref<512xf32, #tpu.memory_space<hbm>>
    tpu.wait_dma2 semaphore(%arg28 : memref<!tpu.dma_semaphore, #tpu.memory_space<semaphore_mem>>) src(%dma_wait3A_52 : memref<512xf32, #tpu.memory_space<hbm>>) dst(%arg15 : memref<512xf32, #tpu.memory_space<vmem>>)
    "tpu.trace_stop"() : () -> ()
    "tpu.trace_start"() <{level = 10 : i32, message = "classify"}> : () -> ()
    %scan3A = arith.constant 0 : i32
    %scan3A_53 = arith.constant 0 : i32
    %scan3A_54 = arith.constant 0 : i32
    %scan3A_55 = arith.constant 80 : i32
    %scan3A_56 = arith.addi %scan3A_54, %scan3A_55 : i32
    %scan3A_57 = arith.constant 1 : i32
    %scan3A_58:2 = scf.for %scan3A_150 = %scan3A_54 to %scan3A_56 step %scan3A_57 iter_args(%scan3A_151 = %scan3A, %scan3A_152 = %scan3A_53) -> (i32, i32)  : i32 {
      %mul3A_153 = arith.constant 16 : i32
      %mul3A_154 = arith.muli %scan3A_150, %mul3A_153 : i32
      %get3A = arith.index_cast %mul3A_154 : i32 to index
      %get3A_155 = tpu.vector_load %arg8[%get3A] {strides = array<i32>} : memref<1280xi32, #tpu.memory_space<vmem>>, vector<16xi32>,
      %mul3A_156 = arith.constant 16 : i32
      %mul3A_157 = arith.muli %scan3A_150, %mul3A_156 : i32
      %get3A_158 = arith.index_cast %mul3A_157 : i32 to index
      %get3A_159 = tpu.vector_load %arg9[%get3A_158] {strides = array<i32>} : memref<1280xi32, #tpu.memory_space<vmem>>, vector<16xi32>,
      %mul3A_160 = arith.constant 16 : i32
      %mul3A_161 = arith.muli %scan3A_150, %mul3A_160 : i32
      %get3A_162 = arith.index_cast %mul3A_161 : i32 to index
      %get3A_163 = tpu.vector_load %arg10[%get3A_162] {strides = array<i32>} : memref<1280xf32, #tpu.memory_space<vmem>>, vector<16xf32>,
      %lt3A_164 = arith.constant 128 : i32
      %lt3A_165 = vector.broadcast %lt3A_164 : i32 to vector<16xi32>
      %lt3A_166 = arith.cmpi slt, %get3A_155, %lt3A_165 : vector<16xi32>
      %swap3A = arith.index_cast %scan3A_151 : i32 to index
      %swap3A_167 = tpu.vector_load %arg19[%swap3A] masked %lt3A_166 {strides = array<i32>} : memref<1296xi32, #tpu.memory_space<vmem>>, vector<16xi32>, vector<16xi1>
      tpu.vector_store %arg19[%swap3A], %get3A_155 masked %lt3A_166 {strides = array<i32>} : memref<1296xi32, #tpu.memory_space<vmem>>, vector<16xi32>, vector<16xi1>
      %swap3A_168 = arith.index_cast %scan3A_151 : i32 to index
      %swap3A_169 = tpu.vector_load %arg20[%swap3A_168] masked %lt3A_166 {strides = array<i32>} : memref<1296xi32, #tpu.memory_space<vmem>>, vector<16xi32>, vector<16xi1>
      tpu.vector_store %arg20[%swap3A_168], %get3A_159 masked %lt3A_166 {strides = array<i32>} : memref<1296xi32, #tpu.memory_space<vmem>>, vector<16xi32>, vector<16xi1>
      %swap3A_170 = arith.index_cast %scan3A_151 : i32 to index
      %swap3A_171 = tpu.vector_load %arg21[%swap3A_170] masked %lt3A_166 {strides = array<i32>} : memref<1296xf32, #tpu.memory_space<vmem>>, vector<16xf32>, vector<16xi1>
      tpu.vector_store %arg21[%swap3A_170], %get3A_163 masked %lt3A_166 {strides = array<i32>} : memref<1296xf32, #tpu.memory_space<vmem>>, vector<16xf32>, vector<16xi1>
      %ge3A = arith.constant 1984 : i32
      %ge3A_172 = vector.broadcast %ge3A : i32 to vector<16xi32>
      %ge3A_173 = arith.cmpi sge, %get3A_159, %ge3A_172 : vector<16xi32>
      %swap3A_174 = arith.index_cast %scan3A_152 : i32 to index
      %swap3A_175 = tpu.vector_load %arg22[%swap3A_174] masked %ge3A_173 {strides = array<i32>} : memref<1296xi32, #tpu.memory_space<vmem>>, vector<16xi32>, vector<16xi1>
      tpu.vector_store %arg22[%swap3A_174], %get3A_155 masked %ge3A_173 {strides = array<i32>} : memref<1296xi32, #tpu.memory_space<vmem>>, vector<16xi32>, vector<16xi1>
      %swap3A_176 = arith.index_cast %scan3A_152 : i32 to index
      %swap3A_177 = tpu.vector_load %arg23[%swap3A_176] masked %ge3A_173 {strides = array<i32>} : memref<1296xi32, #tpu.memory_space<vmem>>, vector<16xi32>, vector<16xi1>
      tpu.vector_store %arg23[%swap3A_176], %get3A_159 masked %ge3A_173 {strides = array<i32>} : memref<1296xi32, #tpu.memory_space<vmem>>, vector<16xi32>, vector<16xi1>
      %swap3A_178 = arith.index_cast %scan3A_152 : i32 to index
      %swap3A_179 = tpu.vector_load %arg24[%swap3A_178] masked %ge3A_173 {strides = array<i32>} : memref<1296xf32, #tpu.memory_space<vmem>>, vector<16xf32>, vector<16xi1>
      tpu.vector_store %arg24[%swap3A_178], %get3A_163 masked %ge3A_173 {strides = array<i32>} : memref<1296xf32, #tpu.memory_space<vmem>>, vector<16xf32>, vector<16xi1>
      %all_reduce_population_count3A = tpu.all_reduce %lt3A_166 {dim = 0 : i64, kind = #tpu.reduction_kind<sum>} : vector<16xi1> -> vector<16xi32>
      %reduce_max3A = arith.constant true
      %reduce_max3A_180 = vector.broadcast %reduce_max3A : i1 to vector<16xi1>
      %reduce_max3A_181 = arith.constant -2147483648 : i32
      %reduce_max3A_182 = vector.broadcast %reduce_max3A_181 : i32 to vector<16xi32>
      %reduce_max3A_183 = arith.xori %all_reduce_population_count3A, %reduce_max3A_182 : vector<16xi32>
      %reduce_max3A_184 = tpu.scan <max>, %reduce_max3A_183 masked %reduce_max3A_180 : vector<16xi32>, vector<16xi1> -> vector<16xi32>
      %reduce_max3A_185 = arith.xori %reduce_max3A_184, %reduce_max3A_182 : vector<16xi32>
      %reduce_max3A_186 = vector.extract %reduce_max3A_185[15] : i32 from vector<16xi32>
      %all_reduce_population_count3A_187 = tpu.all_reduce %ge3A_173 {dim = 0 : i64, kind = #tpu.reduction_kind<sum>} : vector<16xi1> -> vector<16xi32>
      %reduce_max3A_188 = arith.constant true
      %reduce_max3A_189 = vector.broadcast %reduce_max3A_188 : i1 to vector<16xi1>
      %reduce_max3A_190 = arith.constant -2147483648 : i32
      %reduce_max3A_191 = vector.broadcast %reduce_max3A_190 : i32 to vector<16xi32>
      %reduce_max3A_192 = arith.xori %all_reduce_population_count3A_187, %reduce_max3A_191 : vector<16xi32>
      %reduce_max3A_193 = tpu.scan <max>, %reduce_max3A_192 masked %reduce_max3A_189 : vector<16xi32>, vector<16xi1> -> vector<16xi32>
      %reduce_max3A_194 = arith.xori %reduce_max3A_193, %reduce_max3A_191 : vector<16xi32>
      %reduce_max3A_195 = vector.extract %reduce_max3A_194[15] : i32 from vector<16xi32>
      %add3A_196 = arith.addi %scan3A_151, %reduce_max3A_186 : i32
      %add3A_197 = arith.addi %scan3A_152, %reduce_max3A_195 : i32
      scf.yield %add3A_196, %add3A_197 : i32, i32
    }
    %scan3A_59 = arith.constant 80 : i32
    "tpu.trace_stop"() : () -> ()
    %iota3A = tpu.iota {dimensions = array<i32: 0>} : vector<16xi32>
    "tpu.trace_start"() <{level = 10 : i32, message = "step1"}> : () -> ()
    %add3A_60 = arith.constant 16 : i32
    %add3A_61 = arith.addi %scan3A_58#0, %add3A_60 : i32
    %sub3A = arith.constant 1 : i32
    %sub3A_62 = arith.subi %add3A_61, %sub3A : i32
    %jit3A_63 = arith.constant 16 : i32
    %div3A = arith.divsi %sub3A_62, %jit3A_63 : i32
    %sign3A = arith.constant 0 : i32
    %sign3A_64 = arith.cmpi sgt, %sub3A_62, %sign3A : i32
    %sign3A_65 = arith.extui %sign3A_64 : i1 to i32
    %sign3A_66 = arith.constant 0 : i32
    %sign3A_67 = arith.cmpi slt, %sub3A_62, %sign3A_66 : i32
    %sign3A_68 = arith.extui %sign3A_67 : i1 to i32
    %sign3A_69 = arith.subi %sign3A_65, %sign3A_68 : i32
    %sign3A_70 = arith.constant 0 : i32
    %sign3A_71 = arith.cmpi sgt, %jit3A_63, %sign3A_70 : i32
    %sign3A_72 = arith.extui %sign3A_71 : i1 to i32
    %sign3A_73 = arith.constant 0 : i32
    %sign3A_74 = arith.cmpi slt, %jit3A_63, %sign3A_73 : i32
    %sign3A_75 = arith.extui %sign3A_74 : i1 to i32
    %sign3A_76 = arith.subi %sign3A_72, %sign3A_75 : i32
    %ne3A_77 = arith.cmpi ne, %sign3A_69, %sign3A_76 : i32
    %rem3A_78 = arith.remsi %sub3A_62, %jit3A_63 : i32
    %ne3A_79 = arith.constant 0 : i32
    %ne3A_80 = arith.cmpi ne, %rem3A_78, %ne3A_79 : i32
    %and3A_81 = arith.andi %ne3A_77, %ne3A_80 : i1
    %sub3A_82 = arith.constant 1 : i32
    %sub3A_83 = arith.subi %div3A, %sub3A_82 : i32
    %select_n3A_84 = arith.select %and3A_81, %sub3A_83, %div3A : i32
    %while3A = arith.constant 0 : i32
    %while3A_85 = arith.constant 0 : i32
    %while3A_86 = arith.subi %select_n3A_84, %while3A : i32
    %while3A_87 = arith.addi %while3A, %while3A_86 : i32
    %while3A_88 = arith.constant 1 : i32
    %while3A_89 = arith.divsi %while3A_86, %while3A_88 : i32
    %while3A_90 = arith.muli %while3A_89, %while3A_88 : i32
    %while3A_91 = arith.addi %while3A, %while3A_90 : i32
    %while3A_92 = arith.constant 1 : i32
    %while3A_93 = scf.for %while3A_150 = %while3A to %while3A_91 step %while3A_92 iter_args(%while3A_151 = %while3A_85) -> (i32)  : i32 {
      %mul3A_152 = arith.constant 16 : i32
      %mul3A_153 = arith.muli %while3A_150, %mul3A_152 : i32
      %sub3A_154 = arith.subi %scan3A_58#0, %mul3A_153 : i32
      %lt3A_155 = vector.broadcast %sub3A_154 : i32 to vector<16xi32>
      %lt3A_156 = arith.cmpi slt, %iota3A, %lt3A_155 : vector<16xi32>
      %mul3A_157 = arith.constant 16 : i32
      %mul3A_158 = arith.muli %while3A_150, %mul3A_157 : i32
      %get3A = arith.index_cast %mul3A_158 : i32 to index
      %get3A_159 = tpu.vector_load %arg19[%get3A] {strides = array<i32>} : memref<1296xi32, #tpu.memory_space<vmem>>, vector<16xi32>,
      %jit3A_160 = arith.constant 0 : i32
      %broadcast_in_dim3A = vector.broadcast %jit3A_160 : i32 to vector<16xi32>
      %select_n3A_161 = arith.select %lt3A_156, %get3A_159, %broadcast_in_dim3A : vector<16xi1>, vector<16xi32>
      %mul3A_162 = arith.constant 16 : i32
      %mul3A_163 = arith.muli %while3A_150, %mul3A_162 : i32
      %get3A_164 = arith.index_cast %mul3A_163 : i32 to index
      %get3A_165 = tpu.vector_load %arg20[%get3A_164] {strides = array<i32>} : memref<1296xi32, #tpu.memory_space<vmem>>, vector<16xi32>,
      %jit3A_166 = arith.constant 0 : i32
      %broadcast_in_dim3A_167 = vector.broadcast %jit3A_166 : i32 to vector<16xi32>
      %select_n3A_168 = arith.select %lt3A_156, %get3A_165, %broadcast_in_dim3A_167 : vector<16xi1>, vector<16xi32>
      %mul3A_169 = arith.constant 16 : i32
      %mul3A_170 = arith.muli %while3A_150, %mul3A_169 : i32
      %get3A_171 = arith.index_cast %mul3A_170 : i32 to index
      %get3A_172 = tpu.vector_load %arg21[%get3A_171] {strides = array<i32>} : memref<1296xf32, #tpu.memory_space<vmem>>, vector<16xf32>,
      %broadcast_in_dim3A_173 = arith.constant 0 : i32
      %broadcast_in_dim3A_174 = vector.broadcast %broadcast_in_dim3A_173 : i32 to vector<16xi32>
      %gather3A = tpu.vector_load_idx %arg11[%broadcast_in_dim3A_174, %select_n3A_161] : memref<4x128xf32, #tpu.memory_space<vmem>>[vector<16xi32>, vector<16xi32>], vector<16xf32>,
      %mul3A_175 = arith.mulf %gather3A, %get3A_172 : vector<16xf32>
      %add3A_176 = arith.constant 0 : i32
      %add3A_177 = vector.broadcast %add3A_176 : i32 to vector<16xi32>
      %add3A_178 = arith.addi %select_n3A_168, %add3A_177 : vector<16xi32>
      tpu.vector_store_idx %arg12[%add3A_178], %mul3A_175 masked %lt3A_156 {add = true} : memref<8192xf32, #tpu.memory_space<vmem>>[vector<16xi32>], vector<16xf32>, vector<16xi1>
      %broadcast_in_dim3A_179 = arith.constant 1 : i32
      %broadcast_in_dim3A_180 = vector.broadcast %broadcast_in_dim3A_179 : i32 to vector<16xi32>
      %gather3A_181 = tpu.vector_load_idx %arg11[%broadcast_in_dim3A_180, %select_n3A_161] : memref<4x128xf32, #tpu.memory_space<vmem>>[vector<16xi32>, vector<16xi32>], vector<16xf32>,
      %mul3A_182 = arith.mulf %gather3A_181, %get3A_172 : vector<16xf32>
      %add3A_183 = arith.constant 2048 : i32
      %add3A_184 = vector.broadcast %add3A_183 : i32 to vector<16xi32>
      %add3A_185 = arith.addi %select_n3A_168, %add3A_184 : vector<16xi32>
      tpu.vector_store_idx %arg12[%add3A_185], %mul3A_182 masked %lt3A_156 {add = true} : memref<8192xf32, #tpu.memory_space<vmem>>[vector<16xi32>], vector<16xf32>, vector<16xi1>
      %broadcast_in_dim3A_186 = arith.constant 2 : i32
      %broadcast_in_dim3A_187 = vector.broadcast %broadcast_in_dim3A_186 : i32 to vector<16xi32>
      %gather3A_188 = tpu.vector_load_idx %arg11[%broadcast_in_dim3A_187, %select_n3A_161] : memref<4x128xf32, #tpu.memory_space<vmem>>[vector<16xi32>, vector<16xi32>], vector<16xf32>,
      %mul3A_189 = arith.mulf %gather3A_188, %get3A_172 : vector<16xf32>
      %add3A_190 = arith.constant 4096 : i32
      %add3A_191 = vector.broadcast %add3A_190 : i32 to vector<16xi32>
      %add3A_192 = arith.addi %select_n3A_168, %add3A_191 : vector<16xi32>
      tpu.vector_store_idx %arg12[%add3A_192], %mul3A_189 masked %lt3A_156 {add = true} : memref<8192xf32, #tpu.memory_space<vmem>>[vector<16xi32>], vector<16xf32>, vector<16xi1>
      %broadcast_in_dim3A_193 = arith.constant 3 : i32
      %broadcast_in_dim3A_194 = vector.broadcast %broadcast_in_dim3A_193 : i32 to vector<16xi32>
      %gather3A_195 = tpu.vector_load_idx %arg11[%broadcast_in_dim3A_194, %select_n3A_161] : memref<4x128xf32, #tpu.memory_space<vmem>>[vector<16xi32>, vector<16xi32>], vector<16xf32>,
      %mul3A_196 = arith.mulf %gather3A_195, %get3A_172 : vector<16xf32>
      %add3A_197 = arith.constant 6144 : i32
      %add3A_198 = vector.broadcast %add3A_197 : i32 to vector<16xi32>
      %add3A_199 = arith.addi %select_n3A_168, %add3A_198 : vector<16xi32>
      tpu.vector_store_idx %arg12[%add3A_199], %mul3A_196 masked %lt3A_156 {add = true} : memref<8192xf32, #tpu.memory_space<vmem>>[vector<16xi32>], vector<16xf32>, vector<16xi1>
      %while3A_200 = arith.constant 0 : i32
      scf.yield %while3A_200 : i32
    }
    %while3A_94 = arith.constant 1 : i32
    %while3A_95 = scf.for %while3A_150 = %while3A_91 to %while3A_87 step %while3A_94 iter_args(%while3A_151 = %while3A_93) -> (i32)  : i32 {
      %mul3A_152 = arith.constant 16 : i32
      %mul3A_153 = arith.muli %while3A_150, %mul3A_152 : i32
      %sub3A_154 = arith.subi %scan3A_58#0, %mul3A_153 : i32
      %lt3A_155 = vector.broadcast %sub3A_154 : i32 to vector<16xi32>
      %lt3A_156 = arith.cmpi slt, %iota3A, %lt3A_155 : vector<16xi32>
      %mul3A_157 = arith.constant 16 : i32
      %mul3A_158 = arith.muli %while3A_150, %mul3A_157 : i32
      %get3A = arith.index_cast %mul3A_158 : i32 to index
      %get3A_159 = tpu.vector_load %arg19[%get3A] {strides = array<i32>} : memref<1296xi32, #tpu.memory_space<vmem>>, vector<16xi32>,
      %jit3A_160 = arith.constant 0 : i32
      %broadcast_in_dim3A = vector.broadcast %jit3A_160 : i32 to vector<16xi32>
      %select_n3A_161 = arith.select %lt3A_156, %get3A_159, %broadcast_in_dim3A : vector<16xi1>, vector<16xi32>
      %mul3A_162 = arith.constant 16 : i32
      %mul3A_163 = arith.muli %while3A_150, %mul3A_162 : i32
      %get3A_164 = arith.index_cast %mul3A_163 : i32 to index
      %get3A_165 = tpu.vector_load %arg20[%get3A_164] {strides = array<i32>} : memref<1296xi32, #tpu.memory_space<vmem>>, vector<16xi32>,
      %jit3A_166 = arith.constant 0 : i32
      %broadcast_in_dim3A_167 = vector.broadcast %jit3A_166 : i32 to vector<16xi32>
      %select_n3A_168 = arith.select %lt3A_156, %get3A_165, %broadcast_in_dim3A_167 : vector<16xi1>, vector<16xi32>
      %mul3A_169 = arith.constant 16 : i32
      %mul3A_170 = arith.muli %while3A_150, %mul3A_169 : i32
      %get3A_171 = arith.index_cast %mul3A_170 : i32 to index
      %get3A_172 = tpu.vector_load %arg21[%get3A_171] {strides = array<i32>} : memref<1296xf32, #tpu.memory_space<vmem>>, vector<16xf32>,
      %broadcast_in_dim3A_173 = arith.constant 0 : i32
      %broadcast_in_dim3A_174 = vector.broadcast %broadcast_in_dim3A_173 : i32 to vector<16xi32>
      %gather3A = tpu.vector_load_idx %arg11[%broadcast_in_dim3A_174, %select_n3A_161] : memref<4x128xf32, #tpu.memory_space<vmem>>[vector<16xi32>, vector<16xi32>], vector<16xf32>,
      %mul3A_175 = arith.mulf %gather3A, %get3A_172 : vector<16xf32>
      %add3A_176 = arith.constant 0 : i32
      %add3A_177 = vector.broadcast %add3A_176 : i32 to vector<16xi32>
      %add3A_178 = arith.addi %select_n3A_168, %add3A_177 : vector<16xi32>
      tpu.vector_store_idx %arg12[%add3A_178], %mul3A_175 masked %lt3A_156 {add = true} : memref<8192xf32, #tpu.memory_space<vmem>>[vector<16xi32>], vector<16xf32>, vector<16xi1>
      %broadcast_in_dim3A_179 = arith.constant 1 : i32
      %broadcast_in_dim3A_180 = vector.broadcast %broadcast_in_dim3A_179 : i32 to vector<16xi32>
      %gather3A_181 = tpu.vector_load_idx %arg11[%broadcast_in_dim3A_180, %select_n3A_161] : memref<4x128xf32, #tpu.memory_space<vmem>>[vector<16xi32>, vector<16xi32>], vector<16xf32>,
      %mul3A_182 = arith.mulf %gather3A_181, %get3A_172 : vector<16xf32>
      %add3A_183 = arith.constant 2048 : i32
      %add3A_184 = vector.broadcast %add3A_183 : i32 to vector<16xi32>
      %add3A_185 = arith.addi %select_n3A_168, %add3A_184 : vector<16xi32>
      tpu.vector_store_idx %arg12[%add3A_185], %mul3A_182 masked %lt3A_156 {add = true} : memref<8192xf32, #tpu.memory_space<vmem>>[vector<16xi32>], vector<16xf32>, vector<16xi1>
      %broadcast_in_dim3A_186 = arith.constant 2 : i32
      %broadcast_in_dim3A_187 = vector.broadcast %broadcast_in_dim3A_186 : i32 to vector<16xi32>
      %gather3A_188 = tpu.vector_load_idx %arg11[%broadcast_in_dim3A_187, %select_n3A_161] : memref<4x128xf32, #tpu.memory_space<vmem>>[vector<16xi32>, vector<16xi32>], vector<16xf32>,
      %mul3A_189 = arith.mulf %gather3A_188, %get3A_172 : vector<16xf32>
      %add3A_190 = arith.constant 4096 : i32
      %add3A_191 = vector.broadcast %add3A_190 : i32 to vector<16xi32>
      %add3A_192 = arith.addi %select_n3A_168, %add3A_191 : vector<16xi32>
      tpu.vector_store_idx %arg12[%add3A_192], %mul3A_189 masked %lt3A_156 {add = true} : memref<8192xf32, #tpu.memory_space<vmem>>[vector<16xi32>], vector<16xf32>, vector<16xi1>
      %broadcast_in_dim3A_193 = arith.constant 3 : i32
      %broadcast_in_dim3A_194 = vector.broadcast %broadcast_in_dim3A_193 : i32 to vector<16xi32>
      %gather3A_195 = tpu.vector_load_idx %arg11[%broadcast_in_dim3A_194, %select_n3A_161] : memref<4x128xf32, #tpu.memory_space<vmem>>[vector<16xi32>, vector<16xi32>], vector<16xf32>,
      %mul3A_196 = arith.mulf %gather3A_195, %get3A_172 : vector<16xf32>
      %add3A_197 = arith.constant 6144 : i32
      %add3A_198 = vector.broadcast %add3A_197 : i32 to vector<16xi32>
      %add3A_199 = arith.addi %select_n3A_168, %add3A_198 : vector<16xi32>
      tpu.vector_store_idx %arg12[%add3A_199], %mul3A_196 masked %lt3A_156 {add = true} : memref<8192xf32, #tpu.memory_space<vmem>>[vector<16xi32>], vector<16xf32>, vector<16xi1>
      %while3A_200 = arith.constant 0 : i32
      scf.yield %while3A_200 : i32
    }
    "tpu.trace_stop"() : () -> ()
    "tpu.trace_start"() <{level = 10 : i32, message = "publish1"}> : () -> ()
    "tpu.region"() ({
      %run_scoped3A = tpu.sem_alloc : memref<!tpu.dma_semaphore, #tpu.memory_space<semaphore_mem>>
      %dma_start3A_150 = arith.constant 0 : i32
      %dma_start3A_151 = tpu.memref_slice %arg25[%arg1, %dma_start3A_150] : memref<16x8192xf32, #tpu.memory_space<vmem_shared>> -> memref<1x8192xf32, #tpu.memory_space<vmem_shared>>
      %dma_start3A_152 = tpu.memref_squeeze %dma_start3A_151 : memref<1x8192xf32, #tpu.memory_space<vmem_shared>> -> memref<8192xf32, #tpu.memory_space<vmem_shared>>
      %dma_start3A_153 = arith.constant 0 : i32
      %dma_start3A_154 = tpu.memref_slice %arg25[%arg1, %dma_start3A_153] : memref<16x8192xf32, #tpu.memory_space<vmem_shared>> -> memref<1x8192xf32, #tpu.memory_space<vmem_shared>>
      %dma_start3A_155 = tpu.memref_squeeze %dma_start3A_154 : memref<1x8192xf32, #tpu.memory_space<vmem_shared>> -> memref<8192xf32, #tpu.memory_space<vmem_shared>>
      tpu.enqueue_dma source(%arg12 : memref<8192xf32, #tpu.memory_space<vmem>>) target(%dma_start3A_155 : memref<8192xf32, #tpu.memory_space<vmem_shared>>) target_semaphore(%run_scoped3A : memref<!tpu.dma_semaphore, #tpu.memory_space<semaphore_mem>>)
      %dma_wait3A_156 = arith.constant 0 : i32
      %dma_wait3A_157 = tpu.memref_slice %arg25[%arg1, %dma_wait3A_156] : memref<16x8192xf32, #tpu.memory_space<vmem_shared>> -> memref<1x8192xf32, #tpu.memory_space<vmem_shared>>
      %dma_wait3A_158 = tpu.memref_squeeze %dma_wait3A_157 : memref<1x8192xf32, #tpu.memory_space<vmem_shared>> -> memref<8192xf32, #tpu.memory_space<vmem_shared>>
      %dma_wait3A_159 = arith.constant 0 : i32
      %dma_wait3A_160 = tpu.memref_slice %arg25[%arg1, %dma_wait3A_159] : memref<16x8192xf32, #tpu.memory_space<vmem_shared>> -> memref<1x8192xf32, #tpu.memory_space<vmem_shared>>
      %dma_wait3A_161 = tpu.memref_squeeze %dma_wait3A_160 : memref<1x8192xf32, #tpu.memory_space<vmem_shared>> -> memref<8192xf32, #tpu.memory_space<vmem_shared>>
      tpu.wait_dma2 semaphore(%run_scoped3A : memref<!tpu.dma_semaphore, #tpu.memory_space<semaphore_mem>>) src(%arg12 : memref<8192xf32, #tpu.memory_space<vmem>>) dst(%dma_wait3A_161 : memref<8192xf32, #tpu.memory_space<vmem_shared>>)
      tpu.yield
    }) : () -> ()
    %barrier3A = arith.constant 0 : index
    tpu.barrier barrier_id(%barrier3A)
    "tpu.region"() ({
      %run_scoped3A = tpu.sem_alloc : memref<!tpu.dma_semaphore, #tpu.memory_space<semaphore_mem>>
      %dma_start3A_150 = arith.constant 0 : i32
      %dma_start3A_151 = tpu.memref_slice %arg25[%dma_start3A_150, %mul3A_2] : memref<16x8192xf32, #tpu.memory_space<vmem_shared>> -> memref<16x512xf32, #tpu.memory_space<vmem_shared>>
      %dma_start3A_152 = arith.constant 0 : i32
      %dma_start3A_153 = tpu.memref_slice %arg25[%dma_start3A_152, %mul3A_2] : memref<16x8192xf32, #tpu.memory_space<vmem_shared>> -> memref<16x512xf32, #tpu.memory_space<vmem_shared>>
      tpu.enqueue_dma source(%dma_start3A_153 : memref<16x512xf32, #tpu.memory_space<vmem_shared>>) target(%arg14 : memref<16x512xf32, #tpu.memory_space<vmem>>) target_semaphore(%run_scoped3A : memref<!tpu.dma_semaphore, #tpu.memory_space<semaphore_mem>>)
      %dma_wait3A_154 = arith.constant 0 : i32
      %dma_wait3A_155 = tpu.memref_slice %arg25[%dma_wait3A_154, %mul3A_2] : memref<16x8192xf32, #tpu.memory_space<vmem_shared>> -> memref<16x512xf32, #tpu.memory_space<vmem_shared>>
      %dma_wait3A_156 = arith.constant 0 : i32
      %dma_wait3A_157 = tpu.memref_slice %arg25[%dma_wait3A_156, %mul3A_2] : memref<16x8192xf32, #tpu.memory_space<vmem_shared>> -> memref<16x512xf32, #tpu.memory_space<vmem_shared>>
      tpu.wait_dma2 semaphore(%run_scoped3A : memref<!tpu.dma_semaphore, #tpu.memory_space<semaphore_mem>>) src(%dma_wait3A_157 : memref<16x512xf32, #tpu.memory_space<vmem_shared>>) dst(%arg14 : memref<16x512xf32, #tpu.memory_space<vmem>>)
      tpu.yield
    }) : () -> ()
    "tpu.trace_stop"() : () -> ()
    "tpu.trace_start"() <{level = 10 : i32, message = "reduce1"}> : () -> ()
    %scan3A_96 = arith.constant 0 : i32
    %scan3A_97 = arith.constant 0 : i32
    %scan3A_98 = arith.constant 32 : i32
    %scan3A_99 = arith.addi %scan3A_97, %scan3A_98 : i32
    %scan3A_100 = arith.constant 1 : i32
    %scan3A_101 = scf.for %scan3A_150 = %scan3A_97 to %scan3A_99 step %scan3A_100 iter_args(%scan3A_151 = %scan3A_96) -> (i32)  : i32 {
      %mul3A_152 = arith.constant 16 : i32
      %mul3A_153 = arith.muli %scan3A_150, %mul3A_152 : i32
      %get3A = arith.constant 0 : i32
      %get3A_154 = arith.index_cast %get3A : i32 to index
      %get3A_155 = arith.index_cast %mul3A_153 : i32 to index
      %get3A_156 = tpu.vector_load %arg14[%get3A_154, %get3A_155] {strides = array<i32>} : memref<16x512xf32, #tpu.memory_space<vmem>>, vector<16xf32>,
      %mul3A_157 = arith.constant 16 : i32
      %mul3A_158 = arith.muli %scan3A_150, %mul3A_157 : i32
      %get3A_159 = arith.constant 1 : i32
      %get3A_160 = arith.index_cast %get3A_159 : i32 to index
      %get3A_161 = arith.index_cast %mul3A_158 : i32 to index
      %get3A_162 = tpu.vector_load %arg14[%get3A_160, %get3A_161] {strides = array<i32>} : memref<16x512xf32, #tpu.memory_space<vmem>>, vector<16xf32>,
      %add3A_163 = arith.addf %get3A_156, %get3A_162 : vector<16xf32>
      %mul3A_164 = arith.constant 16 : i32
      %mul3A_165 = arith.muli %scan3A_150, %mul3A_164 : i32
      %get3A_166 = arith.constant 2 : i32
      %get3A_167 = arith.index_cast %get3A_166 : i32 to index
      %get3A_168 = arith.index_cast %mul3A_165 : i32 to index
      %get3A_169 = tpu.vector_load %arg14[%get3A_167, %get3A_168] {strides = array<i32>} : memref<16x512xf32, #tpu.memory_space<vmem>>, vector<16xf32>,
      %add3A_170 = arith.addf %add3A_163, %get3A_169 : vector<16xf32>
      %mul3A_171 = arith.constant 16 : i32
      %mul3A_172 = arith.muli %scan3A_150, %mul3A_171 : i32
      %get3A_173 = arith.constant 3 : i32
      %get3A_174 = arith.index_cast %get3A_173 : i32 to index
      %get3A_175 = arith.index_cast %mul3A_172 : i32 to index
      %get3A_176 = tpu.vector_load %arg14[%get3A_174, %get3A_175] {strides = array<i32>} : memref<16x512xf32, #tpu.memory_space<vmem>>, vector<16xf32>,
      %add3A_177 = arith.addf %add3A_170, %get3A_176 : vector<16xf32>
      %mul3A_178 = arith.constant 16 : i32
      %mul3A_179 = arith.muli %scan3A_150, %mul3A_178 : i32
      %get3A_180 = arith.constant 4 : i32
      %get3A_181 = arith.index_cast %get3A_180 : i32 to index
      %get3A_182 = arith.index_cast %mul3A_179 : i32 to index
      %get3A_183 = tpu.vector_load %arg14[%get3A_181, %get3A_182] {strides = array<i32>} : memref<16x512xf32, #tpu.memory_space<vmem>>, vector<16xf32>,
      %add3A_184 = arith.addf %add3A_177, %get3A_183 : vector<16xf32>
      %mul3A_185 = arith.constant 16 : i32
      %mul3A_186 = arith.muli %scan3A_150, %mul3A_185 : i32
      %get3A_187 = arith.constant 5 : i32
      %get3A_188 = arith.index_cast %get3A_187 : i32 to index
      %get3A_189 = arith.index_cast %mul3A_186 : i32 to index
      %get3A_190 = tpu.vector_load %arg14[%get3A_188, %get3A_189] {strides = array<i32>} : memref<16x512xf32, #tpu.memory_space<vmem>>, vector<16xf32>,
      %add3A_191 = arith.addf %add3A_184, %get3A_190 : vector<16xf32>
      %mul3A_192 = arith.constant 16 : i32
      %mul3A_193 = arith.muli %scan3A_150, %mul3A_192 : i32
      %get3A_194 = arith.constant 6 : i32
      %get3A_195 = arith.index_cast %get3A_194 : i32 to index
      %get3A_196 = arith.index_cast %mul3A_193 : i32 to index
      %get3A_197 = tpu.vector_load %arg14[%get3A_195, %get3A_196] {strides = array<i32>} : memref<16x512xf32, #tpu.memory_space<vmem>>, vector<16xf32>,
      %add3A_198 = arith.addf %add3A_191, %get3A_197 : vector<16xf32>
      %mul3A_199 = arith.constant 16 : i32
      %mul3A_200 = arith.muli %scan3A_150, %mul3A_199 : i32
      %get3A_201 = arith.constant 7 : i32
      %get3A_202 = arith.index_cast %get3A_201 : i32 to index
      %get3A_203 = arith.index_cast %mul3A_200 : i32 to index
      %get3A_204 = tpu.vector_load %arg14[%get3A_202, %get3A_203] {strides = array<i32>} : memref<16x512xf32, #tpu.memory_space<vmem>>, vector<16xf32>,
      %add3A_205 = arith.addf %add3A_198, %get3A_204 : vector<16xf32>
      %mul3A_206 = arith.constant 16 : i32
      %mul3A_207 = arith.muli %scan3A_150, %mul3A_206 : i32
      %get3A_208 = arith.constant 8 : i32
      %get3A_209 = arith.index_cast %get3A_208 : i32 to index
      %get3A_210 = arith.index_cast %mul3A_207 : i32 to index
      %get3A_211 = tpu.vector_load %arg14[%get3A_209, %get3A_210] {strides = array<i32>} : memref<16x512xf32, #tpu.memory_space<vmem>>, vector<16xf32>,
      %add3A_212 = arith.addf %add3A_205, %get3A_211 : vector<16xf32>
      %mul3A_213 = arith.constant 16 : i32
      %mul3A_214 = arith.muli %scan3A_150, %mul3A_213 : i32
      %get3A_215 = arith.constant 9 : i32
      %get3A_216 = arith.index_cast %get3A_215 : i32 to index
      %get3A_217 = arith.index_cast %mul3A_214 : i32 to index
      %get3A_218 = tpu.vector_load %arg14[%get3A_216, %get3A_217] {strides = array<i32>} : memref<16x512xf32, #tpu.memory_space<vmem>>, vector<16xf32>,
      %add3A_219 = arith.addf %add3A_212, %get3A_218 : vector<16xf32>
      %mul3A_220 = arith.constant 16 : i32
      %mul3A_221 = arith.muli %scan3A_150, %mul3A_220 : i32
      %get3A_222 = arith.constant 10 : i32
      %get3A_223 = arith.index_cast %get3A_222 : i32 to index
      %get3A_224 = arith.index_cast %mul3A_221 : i32 to index
      %get3A_225 = tpu.vector_load %arg14[%get3A_223, %get3A_224] {strides = array<i32>} : memref<16x512xf32, #tpu.memory_space<vmem>>, vector<16xf32>,
      %add3A_226 = arith.addf %add3A_219, %get3A_225 : vector<16xf32>
      %mul3A_227 = arith.constant 16 : i32
      %mul3A_228 = arith.muli %scan3A_150, %mul3A_227 : i32
      %get3A_229 = arith.constant 11 : i32
      %get3A_230 = arith.index_cast %get3A_229 : i32 to index
      %get3A_231 = arith.index_cast %mul3A_228 : i32 to index
      %get3A_232 = tpu.vector_load %arg14[%get3A_230, %get3A_231] {strides = array<i32>} : memref<16x512xf32, #tpu.memory_space<vmem>>, vector<16xf32>,
      %add3A_233 = arith.addf %add3A_226, %get3A_232 : vector<16xf32>
      %mul3A_234 = arith.constant 16 : i32
      %mul3A_235 = arith.muli %scan3A_150, %mul3A_234 : i32
      %get3A_236 = arith.constant 12 : i32
      %get3A_237 = arith.index_cast %get3A_236 : i32 to index
      %get3A_238 = arith.index_cast %mul3A_235 : i32 to index
      %get3A_239 = tpu.vector_load %arg14[%get3A_237, %get3A_238] {strides = array<i32>} : memref<16x512xf32, #tpu.memory_space<vmem>>, vector<16xf32>,
      %add3A_240 = arith.addf %add3A_233, %get3A_239 : vector<16xf32>
      %mul3A_241 = arith.constant 16 : i32
      %mul3A_242 = arith.muli %scan3A_150, %mul3A_241 : i32
      %get3A_243 = arith.constant 13 : i32
      %get3A_244 = arith.index_cast %get3A_243 : i32 to index
      %get3A_245 = arith.index_cast %mul3A_242 : i32 to index
      %get3A_246 = tpu.vector_load %arg14[%get3A_244, %get3A_245] {strides = array<i32>} : memref<16x512xf32, #tpu.memory_space<vmem>>, vector<16xf32>,
      %add3A_247 = arith.addf %add3A_240, %get3A_246 : vector<16xf32>
      %mul3A_248 = arith.constant 16 : i32
      %mul3A_249 = arith.muli %scan3A_150, %mul3A_248 : i32
      %get3A_250 = arith.constant 14 : i32
      %get3A_251 = arith.index_cast %get3A_250 : i32 to index
      %get3A_252 = arith.index_cast %mul3A_249 : i32 to index
      %get3A_253 = tpu.vector_load %arg14[%get3A_251, %get3A_252] {strides = array<i32>} : memref<16x512xf32, #tpu.memory_space<vmem>>, vector<16xf32>,
      %add3A_254 = arith.addf %add3A_247, %get3A_253 : vector<16xf32>
      %mul3A_255 = arith.constant 16 : i32
      %mul3A_256 = arith.muli %scan3A_150, %mul3A_255 : i32
      %get3A_257 = arith.constant 15 : i32
      %get3A_258 = arith.index_cast %get3A_257 : i32 to index
      %get3A_259 = arith.index_cast %mul3A_256 : i32 to index
      %get3A_260 = tpu.vector_load %arg14[%get3A_258, %get3A_259] {strides = array<i32>} : memref<16x512xf32, #tpu.memory_space<vmem>>, vector<16xf32>,
      %add3A_261 = arith.addf %add3A_254, %get3A_260 : vector<16xf32>
      %mul3A_262 = arith.constant 16 : i32
      %mul3A_263 = arith.muli %scan3A_150, %mul3A_262 : i32
      %get3A_264 = arith.index_cast %mul3A_263 : i32 to index
      %get3A_265 = tpu.vector_load %arg15[%get3A_264] {strides = array<i32>} : memref<512xf32, #tpu.memory_space<vmem>>, vector<16xf32>,
      %add3A_266 = arith.addf %add3A_261, %get3A_265 : vector<16xf32>
      %abs3A = math.absf %add3A_266 : vector<16xf32>
      %mul3A_267 = arith.constant -2.000000e+00 : f32
      %mul3A_268 = vector.broadcast %mul3A_267 : f32 to vector<16xf32>
      %mul3A_269 = arith.mulf %mul3A_268, %abs3A : vector<16xf32>
      %exp3A = math.exp %mul3A_269 : vector<16xf32>
      %sign3A_270 = tpu.bitcast %add3A_266 : vector<16xf32> -> vector<16xi32>
      %sign3A_271 = arith.constant -2147483648 : i32
      %sign3A_272 = vector.broadcast %sign3A_271 : i32 to vector<16xi32>
      %sign3A_273 = arith.andi %sign3A_270, %sign3A_272 : vector<16xi32>
      %sign3A_274 = arith.constant 1065353216 : i32
      %sign3A_275 = vector.broadcast %sign3A_274 : i32 to vector<16xi32>
      %sign3A_276 = arith.ori %sign3A_275, %sign3A_273 : vector<16xi32>
      %sign3A_277 = tpu.bitcast %sign3A_276 : vector<16xi32> -> vector<16xf32>
      %sign3A_278 = math.absf %add3A_266 : vector<16xf32>
      %sign3A_279 = arith.constant 0.000000e+00 : f32
      %sign3A_280 = vector.broadcast %sign3A_279 : f32 to vector<16xf32>
      %sign3A_281 = arith.cmpf ogt, %sign3A_278, %sign3A_280 : vector<16xf32>
      %sign3A_282 = arith.select %sign3A_281, %sign3A_277, %add3A_266 : vector<16xi1>, vector<16xf32>
      %sub3A_283 = arith.constant 1.000000e+00 : f32
      %sub3A_284 = vector.broadcast %sub3A_283 : f32 to vector<16xf32>
      %sub3A_285 = arith.subf %sub3A_284, %exp3A : vector<16xf32>
      %mul3A_286 = arith.mulf %sign3A_282, %sub3A_285 : vector<16xf32>
      %add3A_287 = arith.constant 1.000000e+00 : f32
      %add3A_288 = vector.broadcast %add3A_287 : f32 to vector<16xf32>
      %add3A_289 = arith.addf %add3A_288, %exp3A : vector<16xf32>
      %div3A_290 = arith.divf %mul3A_286, %add3A_289 : vector<16xf32>
      %mul3A_291 = arith.constant 16 : i32
      %mul3A_292 = arith.muli %scan3A_150, %mul3A_291 : i32
      %swap3A = arith.index_cast %mul3A_292 : i32 to index
      %swap3A_293 = tpu.vector_load %arg15[%swap3A] {strides = array<i32>} : memref<512xf32, #tpu.memory_space<vmem>>, vector<16xf32>,
      tpu.vector_store %arg15[%swap3A], %div3A_290 {strides = array<i32>} : memref<512xf32, #tpu.memory_space<vmem>>, vector<16xf32>,
      %scan3A_294 = arith.constant 0 : i32
      scf.yield %scan3A_294 : i32
    }
    %scan3A_102 = arith.constant 32 : i32
    "tpu.trace_stop"() : () -> ()
    "tpu.trace_start"() <{level = 10 : i32, message = "act1x"}> : () -> ()
    "tpu.region"() ({
      %run_scoped3A = tpu.sem_alloc : memref<!tpu.dma_semaphore, #tpu.memory_space<semaphore_mem>>
      %dma_start3A_150 = tpu.memref_slice %arg26[%mul3A_2] : memref<8192xf32, #tpu.memory_space<vmem_shared>> -> memref<512xf32, #tpu.memory_space<vmem_shared>>
      %dma_start3A_151 = tpu.memref_slice %arg26[%mul3A_2] : memref<8192xf32, #tpu.memory_space<vmem_shared>> -> memref<512xf32, #tpu.memory_space<vmem_shared>>
      tpu.enqueue_dma source(%arg15 : memref<512xf32, #tpu.memory_space<vmem>>) target(%dma_start3A_151 : memref<512xf32, #tpu.memory_space<vmem_shared>>) target_semaphore(%run_scoped3A : memref<!tpu.dma_semaphore, #tpu.memory_space<semaphore_mem>>)
      %dma_wait3A_152 = tpu.memref_slice %arg26[%mul3A_2] : memref<8192xf32, #tpu.memory_space<vmem_shared>> -> memref<512xf32, #tpu.memory_space<vmem_shared>>
      %dma_wait3A_153 = tpu.memref_slice %arg26[%mul3A_2] : memref<8192xf32, #tpu.memory_space<vmem_shared>> -> memref<512xf32, #tpu.memory_space<vmem_shared>>
      tpu.wait_dma2 semaphore(%run_scoped3A : memref<!tpu.dma_semaphore, #tpu.memory_space<semaphore_mem>>) src(%arg15 : memref<512xf32, #tpu.memory_space<vmem>>) dst(%dma_wait3A_153 : memref<512xf32, #tpu.memory_space<vmem_shared>>)
      tpu.yield
    }) : () -> ()
    %barrier3A_103 = arith.constant 0 : index
    tpu.barrier barrier_id(%barrier3A_103)
    "tpu.region"() ({
      %run_scoped3A = tpu.sem_alloc : memref<!tpu.dma_semaphore, #tpu.memory_space<semaphore_mem>>
      tpu.enqueue_dma source(%arg26 : memref<8192xf32, #tpu.memory_space<vmem_shared>>) target(%arg13 : memref<8192xf32, #tpu.memory_space<vmem>>) target_semaphore(%run_scoped3A : memref<!tpu.dma_semaphore, #tpu.memory_space<semaphore_mem>>)
      tpu.wait_dma2 semaphore(%run_scoped3A : memref<!tpu.dma_semaphore, #tpu.memory_space<semaphore_mem>>) src(%arg26 : memref<8192xf32, #tpu.memory_space<vmem_shared>>) dst(%arg13 : memref<8192xf32, #tpu.memory_space<vmem>>)
      tpu.yield
    }) : () -> ()
    "tpu.trace_stop"() : () -> ()
    "tpu.trace_start"() <{level = 10 : i32, message = "step2"}> : () -> ()
    %add3A_104 = arith.constant 16 : i32
    %add3A_105 = arith.addi %scan3A_58#1, %add3A_104 : i32
    %sub3A_106 = arith.constant 1 : i32
    %sub3A_107 = arith.subi %add3A_105, %sub3A_106 : i32
    %jit3A_108 = arith.constant 16 : i32
    %div3A_109 = arith.divsi %sub3A_107, %jit3A_108 : i32
    %sign3A_110 = arith.constant 0 : i32
    %sign3A_111 = arith.cmpi sgt, %sub3A_107, %sign3A_110 : i32
    %sign3A_112 = arith.extui %sign3A_111 : i1 to i32
    %sign3A_113 = arith.constant 0 : i32
    %sign3A_114 = arith.cmpi slt, %sub3A_107, %sign3A_113 : i32
    %sign3A_115 = arith.extui %sign3A_114 : i1 to i32
    %sign3A_116 = arith.subi %sign3A_112, %sign3A_115 : i32
    %sign3A_117 = arith.constant 0 : i32
    %sign3A_118 = arith.cmpi sgt, %jit3A_108, %sign3A_117 : i32
    %sign3A_119 = arith.extui %sign3A_118 : i1 to i32
    %sign3A_120 = arith.constant 0 : i32
    %sign3A_121 = arith.cmpi slt, %jit3A_108, %sign3A_120 : i32
    %sign3A_122 = arith.extui %sign3A_121 : i1 to i32
    %sign3A_123 = arith.subi %sign3A_119, %sign3A_122 : i32
    %ne3A_124 = arith.cmpi ne, %sign3A_116, %sign3A_123 : i32
    %rem3A_125 = arith.remsi %sub3A_107, %jit3A_108 : i32
    %ne3A_126 = arith.constant 0 : i32
    %ne3A_127 = arith.cmpi ne, %rem3A_125, %ne3A_126 : i32
    %and3A_128 = arith.andi %ne3A_124, %ne3A_127 : i1
    %sub3A_129 = arith.constant 1 : i32
    %sub3A_130 = arith.subi %div3A_109, %sub3A_129 : i32
    %select_n3A_131 = arith.select %and3A_128, %sub3A_130, %div3A_109 : i32
    %while3A_132 = arith.constant 0 : i32
    %while3A_133 = arith.constant 0 : i32
    %while3A_134 = arith.subi %select_n3A_131, %while3A_132 : i32
    %while3A_135 = arith.addi %while3A_132, %while3A_134 : i32
    %while3A_136 = arith.constant 1 : i32
    %while3A_137 = arith.divsi %while3A_134, %while3A_136 : i32
    %while3A_138 = arith.muli %while3A_137, %while3A_136 : i32
    %while3A_139 = arith.addi %while3A_132, %while3A_138 : i32
    %while3A_140 = arith.constant 1 : i32
    %while3A_141 = scf.for %while3A_150 = %while3A_132 to %while3A_139 step %while3A_140 iter_args(%while3A_151 = %while3A_133) -> (i32)  : i32 {
      %mul3A_152 = arith.constant 16 : i32
      %mul3A_153 = arith.muli %while3A_150, %mul3A_152 : i32
      %sub3A_154 = arith.subi %scan3A_58#1, %mul3A_153 : i32
      %lt3A_155 = vector.broadcast %sub3A_154 : i32 to vector<16xi32>
      %lt3A_156 = arith.cmpi slt, %iota3A, %lt3A_155 : vector<16xi32>
      %mul3A_157 = arith.constant 16 : i32
      %mul3A_158 = arith.muli %while3A_150, %mul3A_157 : i32
      %get3A = arith.index_cast %mul3A_158 : i32 to index
      %get3A_159 = tpu.vector_load %arg22[%get3A] {strides = array<i32>} : memref<1296xi32, #tpu.memory_space<vmem>>, vector<16xi32>,
      %jit3A_160 = arith.constant 0 : i32
      %broadcast_in_dim3A = vector.broadcast %jit3A_160 : i32 to vector<16xi32>
      %select_n3A_161 = arith.select %lt3A_156, %get3A_159, %broadcast_in_dim3A : vector<16xi1>, vector<16xi32>
      %mul3A_162 = arith.constant 16 : i32
      %mul3A_163 = arith.muli %while3A_150, %mul3A_162 : i32
      %get3A_164 = arith.index_cast %mul3A_163 : i32 to index
      %get3A_165 = tpu.vector_load %arg23[%get3A_164] {strides = array<i32>} : memref<1296xi32, #tpu.memory_space<vmem>>, vector<16xi32>,
      %sub3A_166 = arith.constant 1984 : i32
      %sub3A_167 = vector.broadcast %sub3A_166 : i32 to vector<16xi32>
      %sub3A_168 = arith.subi %get3A_165, %sub3A_167 : vector<16xi32>
      %jit3A_169 = arith.constant 0 : i32
      %broadcast_in_dim3A_170 = vector.broadcast %jit3A_169 : i32 to vector<16xi32>
      %select_n3A_171 = arith.select %lt3A_156, %sub3A_168, %broadcast_in_dim3A_170 : vector<16xi1>, vector<16xi32>
      %mul3A_172 = arith.constant 16 : i32
      %mul3A_173 = arith.muli %while3A_150, %mul3A_172 : i32
      %get3A_174 = arith.index_cast %mul3A_173 : i32 to index
      %get3A_175 = tpu.vector_load %arg24[%get3A_174] {strides = array<i32>} : memref<1296xf32, #tpu.memory_space<vmem>>, vector<16xf32>,
      %add3A_176 = arith.constant 0 : i32
      %add3A_177 = vector.broadcast %add3A_176 : i32 to vector<16xi32>
      %add3A_178 = arith.addi %select_n3A_161, %add3A_177 : vector<16xi32>
      %gather3A = tpu.vector_load_idx %arg13[%add3A_178] : memref<8192xf32, #tpu.memory_space<vmem>>[vector<16xi32>], vector<16xf32>,
      %mul3A_179 = arith.mulf %gather3A, %get3A_175 : vector<16xf32>
      %add3A_180 = arith.constant 0 : i32
      %add3A_181 = vector.broadcast %add3A_180 : i32 to vector<16xi32>
      %add3A_182 = arith.addi %select_n3A_171, %add3A_181 : vector<16xi32>
      tpu.vector_store_idx %arg16[%add3A_182], %mul3A_179 masked %lt3A_156 {add = true} : memref<256xf32, #tpu.memory_space<vmem>>[vector<16xi32>], vector<16xf32>, vector<16xi1>
      %add3A_183 = arith.constant 2048 : i32
      %add3A_184 = vector.broadcast %add3A_183 : i32 to vector<16xi32>
      %add3A_185 = arith.addi %select_n3A_161, %add3A_184 : vector<16xi32>
      %gather3A_186 = tpu.vector_load_idx %arg13[%add3A_185] : memref<8192xf32, #tpu.memory_space<vmem>>[vector<16xi32>], vector<16xf32>,
      %mul3A_187 = arith.mulf %gather3A_186, %get3A_175 : vector<16xf32>
      %add3A_188 = arith.constant 64 : i32
      %add3A_189 = vector.broadcast %add3A_188 : i32 to vector<16xi32>
      %add3A_190 = arith.addi %select_n3A_171, %add3A_189 : vector<16xi32>
      tpu.vector_store_idx %arg16[%add3A_190], %mul3A_187 masked %lt3A_156 {add = true} : memref<256xf32, #tpu.memory_space<vmem>>[vector<16xi32>], vector<16xf32>, vector<16xi1>
      %add3A_191 = arith.constant 4096 : i32
      %add3A_192 = vector.broadcast %add3A_191 : i32 to vector<16xi32>
      %add3A_193 = arith.addi %select_n3A_161, %add3A_192 : vector<16xi32>
      %gather3A_194 = tpu.vector_load_idx %arg13[%add3A_193] : memref<8192xf32, #tpu.memory_space<vmem>>[vector<16xi32>], vector<16xf32>,
      %mul3A_195 = arith.mulf %gather3A_194, %get3A_175 : vector<16xf32>
      %add3A_196 = arith.constant 128 : i32
      %add3A_197 = vector.broadcast %add3A_196 : i32 to vector<16xi32>
      %add3A_198 = arith.addi %select_n3A_171, %add3A_197 : vector<16xi32>
      tpu.vector_store_idx %arg16[%add3A_198], %mul3A_195 masked %lt3A_156 {add = true} : memref<256xf32, #tpu.memory_space<vmem>>[vector<16xi32>], vector<16xf32>, vector<16xi1>
      %add3A_199 = arith.constant 6144 : i32
      %add3A_200 = vector.broadcast %add3A_199 : i32 to vector<16xi32>
      %add3A_201 = arith.addi %select_n3A_161, %add3A_200 : vector<16xi32>
      %gather3A_202 = tpu.vector_load_idx %arg13[%add3A_201] : memref<8192xf32, #tpu.memory_space<vmem>>[vector<16xi32>], vector<16xf32>,
      %mul3A_203 = arith.mulf %gather3A_202, %get3A_175 : vector<16xf32>
      %add3A_204 = arith.constant 192 : i32
      %add3A_205 = vector.broadcast %add3A_204 : i32 to vector<16xi32>
      %add3A_206 = arith.addi %select_n3A_171, %add3A_205 : vector<16xi32>
      tpu.vector_store_idx %arg16[%add3A_206], %mul3A_203 masked %lt3A_156 {add = true} : memref<256xf32, #tpu.memory_space<vmem>>[vector<16xi32>], vector<16xf32>, vector<16xi1>
      %while3A_207 = arith.constant 0 : i32
      scf.yield %while3A_207 : i32
    }
    %while3A_142 = arith.constant 1 : i32
    %while3A_143 = scf.for %while3A_150 = %while3A_139 to %while3A_135 step %while3A_142 iter_args(%while3A_151 = %while3A_141) -> (i32)  : i32 {
      %mul3A_152 = arith.constant 16 : i32
      %mul3A_153 = arith.muli %while3A_150, %mul3A_152 : i32
      %sub3A_154 = arith.subi %scan3A_58#1, %mul3A_153 : i32
      %lt3A_155 = vector.broadcast %sub3A_154 : i32 to vector<16xi32>
      %lt3A_156 = arith.cmpi slt, %iota3A, %lt3A_155 : vector<16xi32>
      %mul3A_157 = arith.constant 16 : i32
      %mul3A_158 = arith.muli %while3A_150, %mul3A_157 : i32
      %get3A = arith.index_cast %mul3A_158 : i32 to index
      %get3A_159 = tpu.vector_load %arg22[%get3A] {strides = array<i32>} : memref<1296xi32, #tpu.memory_space<vmem>>, vector<16xi32>,
      %jit3A_160 = arith.constant 0 : i32
      %broadcast_in_dim3A = vector.broadcast %jit3A_160 : i32 to vector<16xi32>
      %select_n3A_161 = arith.select %lt3A_156, %get3A_159, %broadcast_in_dim3A : vector<16xi1>, vector<16xi32>
      %mul3A_162 = arith.constant 16 : i32
      %mul3A_163 = arith.muli %while3A_150, %mul3A_162 : i32
      %get3A_164 = arith.index_cast %mul3A_163 : i32 to index
      %get3A_165 = tpu.vector_load %arg23[%get3A_164] {strides = array<i32>} : memref<1296xi32, #tpu.memory_space<vmem>>, vector<16xi32>,
      %sub3A_166 = arith.constant 1984 : i32
      %sub3A_167 = vector.broadcast %sub3A_166 : i32 to vector<16xi32>
      %sub3A_168 = arith.subi %get3A_165, %sub3A_167 : vector<16xi32>
      %jit3A_169 = arith.constant 0 : i32
      %broadcast_in_dim3A_170 = vector.broadcast %jit3A_169 : i32 to vector<16xi32>
      %select_n3A_171 = arith.select %lt3A_156, %sub3A_168, %broadcast_in_dim3A_170 : vector<16xi1>, vector<16xi32>
      %mul3A_172 = arith.constant 16 : i32
      %mul3A_173 = arith.muli %while3A_150, %mul3A_172 : i32
      %get3A_174 = arith.index_cast %mul3A_173 : i32 to index
      %get3A_175 = tpu.vector_load %arg24[%get3A_174] {strides = array<i32>} : memref<1296xf32, #tpu.memory_space<vmem>>, vector<16xf32>,
      %add3A_176 = arith.constant 0 : i32
      %add3A_177 = vector.broadcast %add3A_176 : i32 to vector<16xi32>
      %add3A_178 = arith.addi %select_n3A_161, %add3A_177 : vector<16xi32>
      %gather3A = tpu.vector_load_idx %arg13[%add3A_178] : memref<8192xf32, #tpu.memory_space<vmem>>[vector<16xi32>], vector<16xf32>,
      %mul3A_179 = arith.mulf %gather3A, %get3A_175 : vector<16xf32>
      %add3A_180 = arith.constant 0 : i32
      %add3A_181 = vector.broadcast %add3A_180 : i32 to vector<16xi32>
      %add3A_182 = arith.addi %select_n3A_171, %add3A_181 : vector<16xi32>
      tpu.vector_store_idx %arg16[%add3A_182], %mul3A_179 masked %lt3A_156 {add = true} : memref<256xf32, #tpu.memory_space<vmem>>[vector<16xi32>], vector<16xf32>, vector<16xi1>
      %add3A_183 = arith.constant 2048 : i32
      %add3A_184 = vector.broadcast %add3A_183 : i32 to vector<16xi32>
      %add3A_185 = arith.addi %select_n3A_161, %add3A_184 : vector<16xi32>
      %gather3A_186 = tpu.vector_load_idx %arg13[%add3A_185] : memref<8192xf32, #tpu.memory_space<vmem>>[vector<16xi32>], vector<16xf32>,
      %mul3A_187 = arith.mulf %gather3A_186, %get3A_175 : vector<16xf32>
      %add3A_188 = arith.constant 64 : i32
      %add3A_189 = vector.broadcast %add3A_188 : i32 to vector<16xi32>
      %add3A_190 = arith.addi %select_n3A_171, %add3A_189 : vector<16xi32>
      tpu.vector_store_idx %arg16[%add3A_190], %mul3A_187 masked %lt3A_156 {add = true} : memref<256xf32, #tpu.memory_space<vmem>>[vector<16xi32>], vector<16xf32>, vector<16xi1>
      %add3A_191 = arith.constant 4096 : i32
      %add3A_192 = vector.broadcast %add3A_191 : i32 to vector<16xi32>
      %add3A_193 = arith.addi %select_n3A_161, %add3A_192 : vector<16xi32>
      %gather3A_194 = tpu.vector_load_idx %arg13[%add3A_193] : memref<8192xf32, #tpu.memory_space<vmem>>[vector<16xi32>], vector<16xf32>,
      %mul3A_195 = arith.mulf %gather3A_194, %get3A_175 : vector<16xf32>
      %add3A_196 = arith.constant 128 : i32
      %add3A_197 = vector.broadcast %add3A_196 : i32 to vector<16xi32>
      %add3A_198 = arith.addi %select_n3A_171, %add3A_197 : vector<16xi32>
      tpu.vector_store_idx %arg16[%add3A_198], %mul3A_195 masked %lt3A_156 {add = true} : memref<256xf32, #tpu.memory_space<vmem>>[vector<16xi32>], vector<16xf32>, vector<16xi1>
      %add3A_199 = arith.constant 6144 : i32
      %add3A_200 = vector.broadcast %add3A_199 : i32 to vector<16xi32>
      %add3A_201 = arith.addi %select_n3A_161, %add3A_200 : vector<16xi32>
      %gather3A_202 = tpu.vector_load_idx %arg13[%add3A_201] : memref<8192xf32, #tpu.memory_space<vmem>>[vector<16xi32>], vector<16xf32>,
      %mul3A_203 = arith.mulf %gather3A_202, %get3A_175 : vector<16xf32>
      %add3A_204 = arith.constant 192 : i32
      %add3A_205 = vector.broadcast %add3A_204 : i32 to vector<16xi32>
      %add3A_206 = arith.addi %select_n3A_171, %add3A_205 : vector<16xi32>
      tpu.vector_store_idx %arg16[%add3A_206], %mul3A_203 masked %lt3A_156 {add = true} : memref<256xf32, #tpu.memory_space<vmem>>[vector<16xi32>], vector<16xf32>, vector<16xi1>
      %while3A_207 = arith.constant 0 : i32
      scf.yield %while3A_207 : i32
    }
    "tpu.trace_stop"() : () -> ()
    %mul3A_144 = arith.constant 256 : i32
    %mul3A_145 = arith.muli %arg1, %mul3A_144 : i32
    "tpu.region"() ({
      %run_scoped3A = tpu.sem_alloc : memref<!tpu.dma_semaphore, #tpu.memory_space<semaphore_mem>>
      %dma_start3A_150 = tpu.memref_slice %arg27[%mul3A_145] : memref<4096xf32, #tpu.memory_space<vmem_shared>> -> memref<256xf32, #tpu.memory_space<vmem_shared>>
      %dma_start3A_151 = tpu.memref_slice %arg27[%mul3A_145] : memref<4096xf32, #tpu.memory_space<vmem_shared>> -> memref<256xf32, #tpu.memory_space<vmem_shared>>
      tpu.enqueue_dma source(%arg16 : memref<256xf32, #tpu.memory_space<vmem>>) target(%dma_start3A_151 : memref<256xf32, #tpu.memory_space<vmem_shared>>) target_semaphore(%run_scoped3A : memref<!tpu.dma_semaphore, #tpu.memory_space<semaphore_mem>>)
      %dma_wait3A_152 = tpu.memref_slice %arg27[%mul3A_145] : memref<4096xf32, #tpu.memory_space<vmem_shared>> -> memref<256xf32, #tpu.memory_space<vmem_shared>>
      %dma_wait3A_153 = tpu.memref_slice %arg27[%mul3A_145] : memref<4096xf32, #tpu.memory_space<vmem_shared>> -> memref<256xf32, #tpu.memory_space<vmem_shared>>
      tpu.wait_dma2 semaphore(%run_scoped3A : memref<!tpu.dma_semaphore, #tpu.memory_space<semaphore_mem>>) src(%arg16 : memref<256xf32, #tpu.memory_space<vmem>>) dst(%dma_wait3A_153 : memref<256xf32, #tpu.memory_space<vmem_shared>>)
      tpu.yield
    }) : () -> ()
    %barrier3A_146 = arith.constant 0 : index
    tpu.barrier barrier_id(%barrier3A_146)
    %lt3A_147 = arith.constant 4 : i32
    %lt3A_148 = arith.cmpi slt, %arg1, %lt3A_147 : i32
    %convert_element_type3A = arith.extui %lt3A_148 : i1 to i32
    %cond3A = arith.constant 0 : i32
    %cond3A_149 = arith.cmpi ne, %convert_element_type3A, %cond3A : i32
    scf.if %cond3A_149 {
      "tpu.region"() ({
        %run_scoped3A = tpu.sem_alloc : memref<!tpu.dma_semaphore, #tpu.memory_space<semaphore_mem>>
        tpu.enqueue_dma source(%arg27 : memref<4096xf32, #tpu.memory_space<vmem_shared>>) target(%arg17 : memref<4096xf32, #tpu.memory_space<vmem>>) target_semaphore(%run_scoped3A : memref<!tpu.dma_semaphore, #tpu.memory_space<semaphore_mem>>)
        tpu.wait_dma2 semaphore(%run_scoped3A : memref<!tpu.dma_semaphore, #tpu.memory_space<semaphore_mem>>) src(%arg27 : memref<4096xf32, #tpu.memory_space<vmem_shared>>) dst(%arg17 : memref<4096xf32, #tpu.memory_space<vmem>>)
        tpu.yield
      }) : () -> ()
      "tpu.region"() ({
        %run_scoped3A = tpu.sem_alloc : memref<!tpu.dma_semaphore, #tpu.memory_space<semaphore_mem>>
        %dma_start3A_716 = arith.constant 1984 : i32
        %dma_start3A_717 = tpu.memref_slice %arg5[%dma_start3A_716] : memref<2048xf32, #tpu.memory_space<hbm>> -> memref<64xf32, #tpu.memory_space<hbm>>
        %dma_start3A_718 = arith.constant 1984 : i32
        %dma_start3A_719 = tpu.memref_slice %arg5[%dma_start3A_718] : memref<2048xf32, #tpu.memory_space<hbm>> -> memref<64xf32, #tpu.memory_space<hbm>>
        tpu.enqueue_dma source(%dma_start3A_719 : memref<64xf32, #tpu.memory_space<hbm>>) target(%arg18 : memref<64xf32, #tpu.memory_space<vmem>>) target_semaphore(%run_scoped3A : memref<!tpu.dma_semaphore, #tpu.memory_space<semaphore_mem>>)
        %dma_wait3A_720 = arith.constant 1984 : i32
        %dma_wait3A_721 = tpu.memref_slice %arg5[%dma_wait3A_720] : memref<2048xf32, #tpu.memory_space<hbm>> -> memref<64xf32, #tpu.memory_space<hbm>>
        %dma_wait3A_722 = arith.constant 1984 : i32
        %dma_wait3A_723 = tpu.memref_slice %arg5[%dma_wait3A_722] : memref<2048xf32, #tpu.memory_space<hbm>> -> memref<64xf32, #tpu.memory_space<hbm>>
        tpu.wait_dma2 semaphore(%run_scoped3A : memref<!tpu.dma_semaphore, #tpu.memory_space<semaphore_mem>>) src(%dma_wait3A_723 : memref<64xf32, #tpu.memory_space<hbm>>) dst(%arg18 : memref<64xf32, #tpu.memory_space<vmem>>)
        tpu.yield
      }) : () -> ()
      %mul3A_150 = arith.constant 64 : i32
      %mul3A_151 = arith.muli %arg1, %mul3A_150 : i32
      %get3A = arith.constant 0 : index
      %get3A_152 = tpu.vector_load %arg18[%get3A] {strides = array<i32>} : memref<64xf32, #tpu.memory_space<vmem>>, vector<16xf32>,
      %add3A_153 = arith.constant 0 : i32
      %add3A_154 = arith.addi %add3A_153, %mul3A_151 : i32
      %add3A_155 = arith.constant 0 : i32
      %add3A_156 = arith.addi %add3A_154, %add3A_155 : i32
      %get3A_157 = arith.index_cast %add3A_156 : i32 to index
      %get3A_158 = tpu.vector_load %arg17[%get3A_157] {strides = array<i32>} : memref<4096xf32, #tpu.memory_space<vmem>>, vector<16xf32>,
      %add3A_159 = arith.addf %get3A_152, %get3A_158 : vector<16xf32>
      %add3A_160 = arith.constant 256 : i32
      %add3A_161 = arith.addi %add3A_160, %mul3A_151 : i32
      %add3A_162 = arith.constant 0 : i32
      %add3A_163 = arith.addi %add3A_161, %add3A_162 : i32
      %get3A_164 = arith.index_cast %add3A_163 : i32 to index
      %get3A_165 = tpu.vector_load %arg17[%get3A_164] {strides = array<i32>} : memref<4096xf32, #tpu.memory_space<vmem>>, vector<16xf32>,
      %add3A_166 = arith.addf %add3A_159, %get3A_165 : vector<16xf32>
      %add3A_167 = arith.constant 512 : i32
      %add3A_168 = arith.addi %add3A_167, %mul3A_151 : i32
      %add3A_169 = arith.constant 0 : i32
      %add3A_170 = arith.addi %add3A_168, %add3A_169 : i32
      %get3A_171 = arith.index_cast %add3A_170 : i32 to index
      %get3A_172 = tpu.vector_load %arg17[%get3A_171] {strides = array<i32>} : memref<4096xf32, #tpu.memory_space<vmem>>, vector<16xf32>,
      %add3A_173 = arith.addf %add3A_166, %get3A_172 : vector<16xf32>
      %add3A_174 = arith.constant 768 : i32
      %add3A_175 = arith.addi %add3A_174, %mul3A_151 : i32
      %add3A_176 = arith.constant 0 : i32
      %add3A_177 = arith.addi %add3A_175, %add3A_176 : i32
      %get3A_178 = arith.index_cast %add3A_177 : i32 to index
      %get3A_179 = tpu.vector_load %arg17[%get3A_178] {strides = array<i32>} : memref<4096xf32, #tpu.memory_space<vmem>>, vector<16xf32>,
      %add3A_180 = arith.addf %add3A_173, %get3A_179 : vector<16xf32>
      %add3A_181 = arith.constant 1024 : i32
      %add3A_182 = arith.addi %add3A_181, %mul3A_151 : i32
      %add3A_183 = arith.constant 0 : i32
      %add3A_184 = arith.addi %add3A_182, %add3A_183 : i32
      %get3A_185 = arith.index_cast %add3A_184 : i32 to index
      %get3A_186 = tpu.vector_load %arg17[%get3A_185] {strides = array<i32>} : memref<4096xf32, #tpu.memory_space<vmem>>, vector<16xf32>,
      %add3A_187 = arith.addf %add3A_180, %get3A_186 : vector<16xf32>
      %add3A_188 = arith.constant 1280 : i32
      %add3A_189 = arith.addi %add3A_188, %mul3A_151 : i32
      %add3A_190 = arith.constant 0 : i32
      %add3A_191 = arith.addi %add3A_189, %add3A_190 : i32
      %get3A_192 = arith.index_cast %add3A_191 : i32 to index
      %get3A_193 = tpu.vector_load %arg17[%get3A_192] {strides = array<i32>} : memref<4096xf32, #tpu.memory_space<vmem>>, vector<16xf32>,
      %add3A_194 = arith.addf %add3A_187, %get3A_193 : vector<16xf32>
      %add3A_195 = arith.constant 1536 : i32
      %add3A_196 = arith.addi %add3A_195, %mul3A_151 : i32
      %add3A_197 = arith.constant 0 : i32
      %add3A_198 = arith.addi %add3A_196, %add3A_197 : i32
      %get3A_199 = arith.index_cast %add3A_198 : i32 to index
      %get3A_200 = tpu.vector_load %arg17[%get3A_199] {strides = array<i32>} : memref<4096xf32, #tpu.memory_space<vmem>>, vector<16xf32>,
      %add3A_201 = arith.addf %add3A_194, %get3A_200 : vector<16xf32>
      %add3A_202 = arith.constant 1792 : i32
      %add3A_203 = arith.addi %add3A_202, %mul3A_151 : i32
      %add3A_204 = arith.constant 0 : i32
      %add3A_205 = arith.addi %add3A_203, %add3A_204 : i32
      %get3A_206 = arith.index_cast %add3A_205 : i32 to index
      %get3A_207 = tpu.vector_load %arg17[%get3A_206] {strides = array<i32>} : memref<4096xf32, #tpu.memory_space<vmem>>, vector<16xf32>,
      %add3A_208 = arith.addf %add3A_201, %get3A_207 : vector<16xf32>
      %add3A_209 = arith.constant 2048 : i32
      %add3A_210 = arith.addi %add3A_209, %mul3A_151 : i32
      %add3A_211 = arith.constant 0 : i32
      %add3A_212 = arith.addi %add3A_210, %add3A_211 : i32
      %get3A_213 = arith.index_cast %add3A_212 : i32 to index
      %get3A_214 = tpu.vector_load %arg17[%get3A_213] {strides = array<i32>} : memref<4096xf32, #tpu.memory_space<vmem>>, vector<16xf32>,
      %add3A_215 = arith.addf %add3A_208, %get3A_214 : vector<16xf32>
      %add3A_216 = arith.constant 2304 : i32
      %add3A_217 = arith.addi %add3A_216, %mul3A_151 : i32
      %add3A_218 = arith.constant 0 : i32
      %add3A_219 = arith.addi %add3A_217, %add3A_218 : i32
      %get3A_220 = arith.index_cast %add3A_219 : i32 to index
      %get3A_221 = tpu.vector_load %arg17[%get3A_220] {strides = array<i32>} : memref<4096xf32, #tpu.memory_space<vmem>>, vector<16xf32>,
      %add3A_222 = arith.addf %add3A_215, %get3A_221 : vector<16xf32>
      %add3A_223 = arith.constant 2560 : i32
      %add3A_224 = arith.addi %add3A_223, %mul3A_151 : i32
      %add3A_225 = arith.constant 0 : i32
      %add3A_226 = arith.addi %add3A_224, %add3A_225 : i32
      %get3A_227 = arith.index_cast %add3A_226 : i32 to index
      %get3A_228 = tpu.vector_load %arg17[%get3A_227] {strides = array<i32>} : memref<4096xf32, #tpu.memory_space<vmem>>, vector<16xf32>,
      %add3A_229 = arith.addf %add3A_222, %get3A_228 : vector<16xf32>
      %add3A_230 = arith.constant 2816 : i32
      %add3A_231 = arith.addi %add3A_230, %mul3A_151 : i32
      %add3A_232 = arith.constant 0 : i32
      %add3A_233 = arith.addi %add3A_231, %add3A_232 : i32
      %get3A_234 = arith.index_cast %add3A_233 : i32 to index
      %get3A_235 = tpu.vector_load %arg17[%get3A_234] {strides = array<i32>} : memref<4096xf32, #tpu.memory_space<vmem>>, vector<16xf32>,
      %add3A_236 = arith.addf %add3A_229, %get3A_235 : vector<16xf32>
      %add3A_237 = arith.constant 3072 : i32
      %add3A_238 = arith.addi %add3A_237, %mul3A_151 : i32
      %add3A_239 = arith.constant 0 : i32
      %add3A_240 = arith.addi %add3A_238, %add3A_239 : i32
      %get3A_241 = arith.index_cast %add3A_240 : i32 to index
      %get3A_242 = tpu.vector_load %arg17[%get3A_241] {strides = array<i32>} : memref<4096xf32, #tpu.memory_space<vmem>>, vector<16xf32>,
      %add3A_243 = arith.addf %add3A_236, %get3A_242 : vector<16xf32>
      %add3A_244 = arith.constant 3328 : i32
      %add3A_245 = arith.addi %add3A_244, %mul3A_151 : i32
      %add3A_246 = arith.constant 0 : i32
      %add3A_247 = arith.addi %add3A_245, %add3A_246 : i32
      %get3A_248 = arith.index_cast %add3A_247 : i32 to index
      %get3A_249 = tpu.vector_load %arg17[%get3A_248] {strides = array<i32>} : memref<4096xf32, #tpu.memory_space<vmem>>, vector<16xf32>,
      %add3A_250 = arith.addf %add3A_243, %get3A_249 : vector<16xf32>
      %add3A_251 = arith.constant 3584 : i32
      %add3A_252 = arith.addi %add3A_251, %mul3A_151 : i32
      %add3A_253 = arith.constant 0 : i32
      %add3A_254 = arith.addi %add3A_252, %add3A_253 : i32
      %get3A_255 = arith.index_cast %add3A_254 : i32 to index
      %get3A_256 = tpu.vector_load %arg17[%get3A_255] {strides = array<i32>} : memref<4096xf32, #tpu.memory_space<vmem>>, vector<16xf32>,
      %add3A_257 = arith.addf %add3A_250, %get3A_256 : vector<16xf32>
      %add3A_258 = arith.constant 3840 : i32
      %add3A_259 = arith.addi %add3A_258, %mul3A_151 : i32
      %add3A_260 = arith.constant 0 : i32
      %add3A_261 = arith.addi %add3A_259, %add3A_260 : i32
      %get3A_262 = arith.index_cast %add3A_261 : i32 to index
      %get3A_263 = tpu.vector_load %arg17[%get3A_262] {strides = array<i32>} : memref<4096xf32, #tpu.memory_space<vmem>>, vector<16xf32>,
      %add3A_264 = arith.addf %add3A_257, %get3A_263 : vector<16xf32>
      %abs3A = math.absf %add3A_264 : vector<16xf32>
      %mul3A_265 = arith.constant -2.000000e+00 : f32
      %mul3A_266 = vector.broadcast %mul3A_265 : f32 to vector<16xf32>
      %mul3A_267 = arith.mulf %mul3A_266, %abs3A : vector<16xf32>
      %exp3A = math.exp %mul3A_267 : vector<16xf32>
      %sign3A_268 = tpu.bitcast %add3A_264 : vector<16xf32> -> vector<16xi32>
      %sign3A_269 = arith.constant -2147483648 : i32
      %sign3A_270 = vector.broadcast %sign3A_269 : i32 to vector<16xi32>
      %sign3A_271 = arith.andi %sign3A_268, %sign3A_270 : vector<16xi32>
      %sign3A_272 = arith.constant 1065353216 : i32
      %sign3A_273 = vector.broadcast %sign3A_272 : i32 to vector<16xi32>
      %sign3A_274 = arith.ori %sign3A_273, %sign3A_271 : vector<16xi32>
      %sign3A_275 = tpu.bitcast %sign3A_274 : vector<16xi32> -> vector<16xf32>
      %sign3A_276 = math.absf %add3A_264 : vector<16xf32>
      %sign3A_277 = arith.constant 0.000000e+00 : f32
      %sign3A_278 = vector.broadcast %sign3A_277 : f32 to vector<16xf32>
      %sign3A_279 = arith.cmpf ogt, %sign3A_276, %sign3A_278 : vector<16xf32>
      %sign3A_280 = arith.select %sign3A_279, %sign3A_275, %add3A_264 : vector<16xi1>, vector<16xf32>
      %sub3A_281 = arith.constant 1.000000e+00 : f32
      %sub3A_282 = vector.broadcast %sub3A_281 : f32 to vector<16xf32>
      %sub3A_283 = arith.subf %sub3A_282, %exp3A : vector<16xf32>
      %mul3A_284 = arith.mulf %sign3A_280, %sub3A_283 : vector<16xf32>
      %add3A_285 = arith.constant 1.000000e+00 : f32
      %add3A_286 = vector.broadcast %add3A_285 : f32 to vector<16xf32>
      %add3A_287 = arith.addf %add3A_286, %exp3A : vector<16xf32>
      %div3A_288 = arith.divf %mul3A_284, %add3A_287 : vector<16xf32>
      %swap3A = arith.constant 0 : index
      %swap3A_289 = tpu.vector_load %arg18[%swap3A] {strides = array<i32>} : memref<64xf32, #tpu.memory_space<vmem>>, vector<16xf32>,
      tpu.vector_store %arg18[%swap3A], %div3A_288 {strides = array<i32>} : memref<64xf32, #tpu.memory_space<vmem>>, vector<16xf32>,
      %get3A_290 = arith.constant 16 : index
      %get3A_291 = tpu.vector_load %arg18[%get3A_290] {strides = array<i32>} : memref<64xf32, #tpu.memory_space<vmem>>, vector<16xf32>,
      %add3A_292 = arith.constant 0 : i32
      %add3A_293 = arith.addi %add3A_292, %mul3A_151 : i32
      %add3A_294 = arith.constant 16 : i32
      %add3A_295 = arith.addi %add3A_293, %add3A_294 : i32
      %get3A_296 = arith.index_cast %add3A_295 : i32 to index
      %get3A_297 = tpu.vector_load %arg17[%get3A_296] {strides = array<i32>} : memref<4096xf32, #tpu.memory_space<vmem>>, vector<16xf32>,
      %add3A_298 = arith.addf %get3A_291, %get3A_297 : vector<16xf32>
      %add3A_299 = arith.constant 256 : i32
      %add3A_300 = arith.addi %add3A_299, %mul3A_151 : i32
      %add3A_301 = arith.constant 16 : i32
      %add3A_302 = arith.addi %add3A_300, %add3A_301 : i32
      %get3A_303 = arith.index_cast %add3A_302 : i32 to index
      %get3A_304 = tpu.vector_load %arg17[%get3A_303] {strides = array<i32>} : memref<4096xf32, #tpu.memory_space<vmem>>, vector<16xf32>,
      %add3A_305 = arith.addf %add3A_298, %get3A_304 : vector<16xf32>
      %add3A_306 = arith.constant 512 : i32
      %add3A_307 = arith.addi %add3A_306, %mul3A_151 : i32
      %add3A_308 = arith.constant 16 : i32
      %add3A_309 = arith.addi %add3A_307, %add3A_308 : i32
      %get3A_310 = arith.index_cast %add3A_309 : i32 to index
      %get3A_311 = tpu.vector_load %arg17[%get3A_310] {strides = array<i32>} : memref<4096xf32, #tpu.memory_space<vmem>>, vector<16xf32>,
      %add3A_312 = arith.addf %add3A_305, %get3A_311 : vector<16xf32>
      %add3A_313 = arith.constant 768 : i32
      %add3A_314 = arith.addi %add3A_313, %mul3A_151 : i32
      %add3A_315 = arith.constant 16 : i32
      %add3A_316 = arith.addi %add3A_314, %add3A_315 : i32
      %get3A_317 = arith.index_cast %add3A_316 : i32 to index
      %get3A_318 = tpu.vector_load %arg17[%get3A_317] {strides = array<i32>} : memref<4096xf32, #tpu.memory_space<vmem>>, vector<16xf32>,
      %add3A_319 = arith.addf %add3A_312, %get3A_318 : vector<16xf32>
      %add3A_320 = arith.constant 1024 : i32
      %add3A_321 = arith.addi %add3A_320, %mul3A_151 : i32
      %add3A_322 = arith.constant 16 : i32
      %add3A_323 = arith.addi %add3A_321, %add3A_322 : i32
      %get3A_324 = arith.index_cast %add3A_323 : i32 to index
      %get3A_325 = tpu.vector_load %arg17[%get3A_324] {strides = array<i32>} : memref<4096xf32, #tpu.memory_space<vmem>>, vector<16xf32>,
      %add3A_326 = arith.addf %add3A_319, %get3A_325 : vector<16xf32>
      %add3A_327 = arith.constant 1280 : i32
      %add3A_328 = arith.addi %add3A_327, %mul3A_151 : i32
      %add3A_329 = arith.constant 16 : i32
      %add3A_330 = arith.addi %add3A_328, %add3A_329 : i32
      %get3A_331 = arith.index_cast %add3A_330 : i32 to index
      %get3A_332 = tpu.vector_load %arg17[%get3A_331] {strides = array<i32>} : memref<4096xf32, #tpu.memory_space<vmem>>, vector<16xf32>,
      %add3A_333 = arith.addf %add3A_326, %get3A_332 : vector<16xf32>
      %add3A_334 = arith.constant 1536 : i32
      %add3A_335 = arith.addi %add3A_334, %mul3A_151 : i32
      %add3A_336 = arith.constant 16 : i32
      %add3A_337 = arith.addi %add3A_335, %add3A_336 : i32
      %get3A_338 = arith.index_cast %add3A_337 : i32 to index
      %get3A_339 = tpu.vector_load %arg17[%get3A_338] {strides = array<i32>} : memref<4096xf32, #tpu.memory_space<vmem>>, vector<16xf32>,
      %add3A_340 = arith.addf %add3A_333, %get3A_339 : vector<16xf32>
      %add3A_341 = arith.constant 1792 : i32
      %add3A_342 = arith.addi %add3A_341, %mul3A_151 : i32
      %add3A_343 = arith.constant 16 : i32
      %add3A_344 = arith.addi %add3A_342, %add3A_343 : i32
      %get3A_345 = arith.index_cast %add3A_344 : i32 to index
      %get3A_346 = tpu.vector_load %arg17[%get3A_345] {strides = array<i32>} : memref<4096xf32, #tpu.memory_space<vmem>>, vector<16xf32>,
      %add3A_347 = arith.addf %add3A_340, %get3A_346 : vector<16xf32>
      %add3A_348 = arith.constant 2048 : i32
      %add3A_349 = arith.addi %add3A_348, %mul3A_151 : i32
      %add3A_350 = arith.constant 16 : i32
      %add3A_351 = arith.addi %add3A_349, %add3A_350 : i32
      %get3A_352 = arith.index_cast %add3A_351 : i32 to index
      %get3A_353 = tpu.vector_load %arg17[%get3A_352] {strides = array<i32>} : memref<4096xf32, #tpu.memory_space<vmem>>, vector<16xf32>,
      %add3A_354 = arith.addf %add3A_347, %get3A_353 : vector<16xf32>
      %add3A_355 = arith.constant 2304 : i32
      %add3A_356 = arith.addi %add3A_355, %mul3A_151 : i32
      %add3A_357 = arith.constant 16 : i32
      %add3A_358 = arith.addi %add3A_356, %add3A_357 : i32
      %get3A_359 = arith.index_cast %add3A_358 : i32 to index
      %get3A_360 = tpu.vector_load %arg17[%get3A_359] {strides = array<i32>} : memref<4096xf32, #tpu.memory_space<vmem>>, vector<16xf32>,
      %add3A_361 = arith.addf %add3A_354, %get3A_360 : vector<16xf32>
      %add3A_362 = arith.constant 2560 : i32
      %add3A_363 = arith.addi %add3A_362, %mul3A_151 : i32
      %add3A_364 = arith.constant 16 : i32
      %add3A_365 = arith.addi %add3A_363, %add3A_364 : i32
      %get3A_366 = arith.index_cast %add3A_365 : i32 to index
      %get3A_367 = tpu.vector_load %arg17[%get3A_366] {strides = array<i32>} : memref<4096xf32, #tpu.memory_space<vmem>>, vector<16xf32>,
      %add3A_368 = arith.addf %add3A_361, %get3A_367 : vector<16xf32>
      %add3A_369 = arith.constant 2816 : i32
      %add3A_370 = arith.addi %add3A_369, %mul3A_151 : i32
      %add3A_371 = arith.constant 16 : i32
      %add3A_372 = arith.addi %add3A_370, %add3A_371 : i32
      %get3A_373 = arith.index_cast %add3A_372 : i32 to index
      %get3A_374 = tpu.vector_load %arg17[%get3A_373] {strides = array<i32>} : memref<4096xf32, #tpu.memory_space<vmem>>, vector<16xf32>,
      %add3A_375 = arith.addf %add3A_368, %get3A_374 : vector<16xf32>
      %add3A_376 = arith.constant 3072 : i32
      %add3A_377 = arith.addi %add3A_376, %mul3A_151 : i32
      %add3A_378 = arith.constant 16 : i32
      %add3A_379 = arith.addi %add3A_377, %add3A_378 : i32
      %get3A_380 = arith.index_cast %add3A_379 : i32 to index
      %get3A_381 = tpu.vector_load %arg17[%get3A_380] {strides = array<i32>} : memref<4096xf32, #tpu.memory_space<vmem>>, vector<16xf32>,
      %add3A_382 = arith.addf %add3A_375, %get3A_381 : vector<16xf32>
      %add3A_383 = arith.constant 3328 : i32
      %add3A_384 = arith.addi %add3A_383, %mul3A_151 : i32
      %add3A_385 = arith.constant 16 : i32
      %add3A_386 = arith.addi %add3A_384, %add3A_385 : i32
      %get3A_387 = arith.index_cast %add3A_386 : i32 to index
      %get3A_388 = tpu.vector_load %arg17[%get3A_387] {strides = array<i32>} : memref<4096xf32, #tpu.memory_space<vmem>>, vector<16xf32>,
      %add3A_389 = arith.addf %add3A_382, %get3A_388 : vector<16xf32>
      %add3A_390 = arith.constant 3584 : i32
      %add3A_391 = arith.addi %add3A_390, %mul3A_151 : i32
      %add3A_392 = arith.constant 16 : i32
      %add3A_393 = arith.addi %add3A_391, %add3A_392 : i32
      %get3A_394 = arith.index_cast %add3A_393 : i32 to index
      %get3A_395 = tpu.vector_load %arg17[%get3A_394] {strides = array<i32>} : memref<4096xf32, #tpu.memory_space<vmem>>, vector<16xf32>,
      %add3A_396 = arith.addf %add3A_389, %get3A_395 : vector<16xf32>
      %add3A_397 = arith.constant 3840 : i32
      %add3A_398 = arith.addi %add3A_397, %mul3A_151 : i32
      %add3A_399 = arith.constant 16 : i32
      %add3A_400 = arith.addi %add3A_398, %add3A_399 : i32
      %get3A_401 = arith.index_cast %add3A_400 : i32 to index
      %get3A_402 = tpu.vector_load %arg17[%get3A_401] {strides = array<i32>} : memref<4096xf32, #tpu.memory_space<vmem>>, vector<16xf32>,
      %add3A_403 = arith.addf %add3A_396, %get3A_402 : vector<16xf32>
      %abs3A_404 = math.absf %add3A_403 : vector<16xf32>
      %mul3A_405 = arith.constant -2.000000e+00 : f32
      %mul3A_406 = vector.broadcast %mul3A_405 : f32 to vector<16xf32>
      %mul3A_407 = arith.mulf %mul3A_406, %abs3A_404 : vector<16xf32>
      %exp3A_408 = math.exp %mul3A_407 : vector<16xf32>
      %sign3A_409 = tpu.bitcast %add3A_403 : vector<16xf32> -> vector<16xi32>
      %sign3A_410 = arith.constant -2147483648 : i32
      %sign3A_411 = vector.broadcast %sign3A_410 : i32 to vector<16xi32>
      %sign3A_412 = arith.andi %sign3A_409, %sign3A_411 : vector<16xi32>
      %sign3A_413 = arith.constant 1065353216 : i32
      %sign3A_414 = vector.broadcast %sign3A_413 : i32 to vector<16xi32>
      %sign3A_415 = arith.ori %sign3A_414, %sign3A_412 : vector<16xi32>
      %sign3A_416 = tpu.bitcast %sign3A_415 : vector<16xi32> -> vector<16xf32>
      %sign3A_417 = math.absf %add3A_403 : vector<16xf32>
      %sign3A_418 = arith.constant 0.000000e+00 : f32
      %sign3A_419 = vector.broadcast %sign3A_418 : f32 to vector<16xf32>
      %sign3A_420 = arith.cmpf ogt, %sign3A_417, %sign3A_419 : vector<16xf32>
      %sign3A_421 = arith.select %sign3A_420, %sign3A_416, %add3A_403 : vector<16xi1>, vector<16xf32>
      %sub3A_422 = arith.constant 1.000000e+00 : f32
      %sub3A_423 = vector.broadcast %sub3A_422 : f32 to vector<16xf32>
      %sub3A_424 = arith.subf %sub3A_423, %exp3A_408 : vector<16xf32>
      %mul3A_425 = arith.mulf %sign3A_421, %sub3A_424 : vector<16xf32>
      %add3A_426 = arith.constant 1.000000e+00 : f32
      %add3A_427 = vector.broadcast %add3A_426 : f32 to vector<16xf32>
      %add3A_428 = arith.addf %add3A_427, %exp3A_408 : vector<16xf32>
      %div3A_429 = arith.divf %mul3A_425, %add3A_428 : vector<16xf32>
      %swap3A_430 = arith.constant 16 : index
      %swap3A_431 = tpu.vector_load %arg18[%swap3A_430] {strides = array<i32>} : memref<64xf32, #tpu.memory_space<vmem>>, vector<16xf32>,
      tpu.vector_store %arg18[%swap3A_430], %div3A_429 {strides = array<i32>} : memref<64xf32, #tpu.memory_space<vmem>>, vector<16xf32>,
      %get3A_432 = arith.constant 32 : index
      %get3A_433 = tpu.vector_load %arg18[%get3A_432] {strides = array<i32>} : memref<64xf32, #tpu.memory_space<vmem>>, vector<16xf32>,
      %add3A_434 = arith.constant 0 : i32
      %add3A_435 = arith.addi %add3A_434, %mul3A_151 : i32
      %add3A_436 = arith.constant 32 : i32
      %add3A_437 = arith.addi %add3A_435, %add3A_436 : i32
      %get3A_438 = arith.index_cast %add3A_437 : i32 to index
      %get3A_439 = tpu.vector_load %arg17[%get3A_438] {strides = array<i32>} : memref<4096xf32, #tpu.memory_space<vmem>>, vector<16xf32>,
      %add3A_440 = arith.addf %get3A_433, %get3A_439 : vector<16xf32>
      %add3A_441 = arith.constant 256 : i32
      %add3A_442 = arith.addi %add3A_441, %mul3A_151 : i32
      %add3A_443 = arith.constant 32 : i32
      %add3A_444 = arith.addi %add3A_442, %add3A_443 : i32
      %get3A_445 = arith.index_cast %add3A_444 : i32 to index
      %get3A_446 = tpu.vector_load %arg17[%get3A_445] {strides = array<i32>} : memref<4096xf32, #tpu.memory_space<vmem>>, vector<16xf32>,
      %add3A_447 = arith.addf %add3A_440, %get3A_446 : vector<16xf32>
      %add3A_448 = arith.constant 512 : i32
      %add3A_449 = arith.addi %add3A_448, %mul3A_151 : i32
      %add3A_450 = arith.constant 32 : i32
      %add3A_451 = arith.addi %add3A_449, %add3A_450 : i32
      %get3A_452 = arith.index_cast %add3A_451 : i32 to index
      %get3A_453 = tpu.vector_load %arg17[%get3A_452] {strides = array<i32>} : memref<4096xf32, #tpu.memory_space<vmem>>, vector<16xf32>,
      %add3A_454 = arith.addf %add3A_447, %get3A_453 : vector<16xf32>
      %add3A_455 = arith.constant 768 : i32
      %add3A_456 = arith.addi %add3A_455, %mul3A_151 : i32
      %add3A_457 = arith.constant 32 : i32
      %add3A_458 = arith.addi %add3A_456, %add3A_457 : i32
      %get3A_459 = arith.index_cast %add3A_458 : i32 to index
      %get3A_460 = tpu.vector_load %arg17[%get3A_459] {strides = array<i32>} : memref<4096xf32, #tpu.memory_space<vmem>>, vector<16xf32>,
      %add3A_461 = arith.addf %add3A_454, %get3A_460 : vector<16xf32>
      %add3A_462 = arith.constant 1024 : i32
      %add3A_463 = arith.addi %add3A_462, %mul3A_151 : i32
      %add3A_464 = arith.constant 32 : i32
      %add3A_465 = arith.addi %add3A_463, %add3A_464 : i32
      %get3A_466 = arith.index_cast %add3A_465 : i32 to index
      %get3A_467 = tpu.vector_load %arg17[%get3A_466] {strides = array<i32>} : memref<4096xf32, #tpu.memory_space<vmem>>, vector<16xf32>,
      %add3A_468 = arith.addf %add3A_461, %get3A_467 : vector<16xf32>
      %add3A_469 = arith.constant 1280 : i32
      %add3A_470 = arith.addi %add3A_469, %mul3A_151 : i32
      %add3A_471 = arith.constant 32 : i32
      %add3A_472 = arith.addi %add3A_470, %add3A_471 : i32
      %get3A_473 = arith.index_cast %add3A_472 : i32 to index
      %get3A_474 = tpu.vector_load %arg17[%get3A_473] {strides = array<i32>} : memref<4096xf32, #tpu.memory_space<vmem>>, vector<16xf32>,
      %add3A_475 = arith.addf %add3A_468, %get3A_474 : vector<16xf32>
      %add3A_476 = arith.constant 1536 : i32
      %add3A_477 = arith.addi %add3A_476, %mul3A_151 : i32
      %add3A_478 = arith.constant 32 : i32
      %add3A_479 = arith.addi %add3A_477, %add3A_478 : i32
      %get3A_480 = arith.index_cast %add3A_479 : i32 to index
      %get3A_481 = tpu.vector_load %arg17[%get3A_480] {strides = array<i32>} : memref<4096xf32, #tpu.memory_space<vmem>>, vector<16xf32>,
      %add3A_482 = arith.addf %add3A_475, %get3A_481 : vector<16xf32>
      %add3A_483 = arith.constant 1792 : i32
      %add3A_484 = arith.addi %add3A_483, %mul3A_151 : i32
      %add3A_485 = arith.constant 32 : i32
      %add3A_486 = arith.addi %add3A_484, %add3A_485 : i32
      %get3A_487 = arith.index_cast %add3A_486 : i32 to index
      %get3A_488 = tpu.vector_load %arg17[%get3A_487] {strides = array<i32>} : memref<4096xf32, #tpu.memory_space<vmem>>, vector<16xf32>,
      %add3A_489 = arith.addf %add3A_482, %get3A_488 : vector<16xf32>
      %add3A_490 = arith.constant 2048 : i32
      %add3A_491 = arith.addi %add3A_490, %mul3A_151 : i32
      %add3A_492 = arith.constant 32 : i32
      %add3A_493 = arith.addi %add3A_491, %add3A_492 : i32
      %get3A_494 = arith.index_cast %add3A_493 : i32 to index
      %get3A_495 = tpu.vector_load %arg17[%get3A_494] {strides = array<i32>} : memref<4096xf32, #tpu.memory_space<vmem>>, vector<16xf32>,
      %add3A_496 = arith.addf %add3A_489, %get3A_495 : vector<16xf32>
      %add3A_497 = arith.constant 2304 : i32
      %add3A_498 = arith.addi %add3A_497, %mul3A_151 : i32
      %add3A_499 = arith.constant 32 : i32
      %add3A_500 = arith.addi %add3A_498, %add3A_499 : i32
      %get3A_501 = arith.index_cast %add3A_500 : i32 to index
      %get3A_502 = tpu.vector_load %arg17[%get3A_501] {strides = array<i32>} : memref<4096xf32, #tpu.memory_space<vmem>>, vector<16xf32>,
      %add3A_503 = arith.addf %add3A_496, %get3A_502 : vector<16xf32>
      %add3A_504 = arith.constant 2560 : i32
      %add3A_505 = arith.addi %add3A_504, %mul3A_151 : i32
      %add3A_506 = arith.constant 32 : i32
      %add3A_507 = arith.addi %add3A_505, %add3A_506 : i32
      %get3A_508 = arith.index_cast %add3A_507 : i32 to index
      %get3A_509 = tpu.vector_load %arg17[%get3A_508] {strides = array<i32>} : memref<4096xf32, #tpu.memory_space<vmem>>, vector<16xf32>,
      %add3A_510 = arith.addf %add3A_503, %get3A_509 : vector<16xf32>
      %add3A_511 = arith.constant 2816 : i32
      %add3A_512 = arith.addi %add3A_511, %mul3A_151 : i32
      %add3A_513 = arith.constant 32 : i32
      %add3A_514 = arith.addi %add3A_512, %add3A_513 : i32
      %get3A_515 = arith.index_cast %add3A_514 : i32 to index
      %get3A_516 = tpu.vector_load %arg17[%get3A_515] {strides = array<i32>} : memref<4096xf32, #tpu.memory_space<vmem>>, vector<16xf32>,
      %add3A_517 = arith.addf %add3A_510, %get3A_516 : vector<16xf32>
      %add3A_518 = arith.constant 3072 : i32
      %add3A_519 = arith.addi %add3A_518, %mul3A_151 : i32
      %add3A_520 = arith.constant 32 : i32
      %add3A_521 = arith.addi %add3A_519, %add3A_520 : i32
      %get3A_522 = arith.index_cast %add3A_521 : i32 to index
      %get3A_523 = tpu.vector_load %arg17[%get3A_522] {strides = array<i32>} : memref<4096xf32, #tpu.memory_space<vmem>>, vector<16xf32>,
      %add3A_524 = arith.addf %add3A_517, %get3A_523 : vector<16xf32>
      %add3A_525 = arith.constant 3328 : i32
      %add3A_526 = arith.addi %add3A_525, %mul3A_151 : i32
      %add3A_527 = arith.constant 32 : i32
      %add3A_528 = arith.addi %add3A_526, %add3A_527 : i32
      %get3A_529 = arith.index_cast %add3A_528 : i32 to index
      %get3A_530 = tpu.vector_load %arg17[%get3A_529] {strides = array<i32>} : memref<4096xf32, #tpu.memory_space<vmem>>, vector<16xf32>,
      %add3A_531 = arith.addf %add3A_524, %get3A_530 : vector<16xf32>
      %add3A_532 = arith.constant 3584 : i32
      %add3A_533 = arith.addi %add3A_532, %mul3A_151 : i32
      %add3A_534 = arith.constant 32 : i32
      %add3A_535 = arith.addi %add3A_533, %add3A_534 : i32
      %get3A_536 = arith.index_cast %add3A_535 : i32 to index
      %get3A_537 = tpu.vector_load %arg17[%get3A_536] {strides = array<i32>} : memref<4096xf32, #tpu.memory_space<vmem>>, vector<16xf32>,
      %add3A_538 = arith.addf %add3A_531, %get3A_537 : vector<16xf32>
      %add3A_539 = arith.constant 3840 : i32
      %add3A_540 = arith.addi %add3A_539, %mul3A_151 : i32
      %add3A_541 = arith.constant 32 : i32
      %add3A_542 = arith.addi %add3A_540, %add3A_541 : i32
      %get3A_543 = arith.index_cast %add3A_542 : i32 to index
      %get3A_544 = tpu.vector_load %arg17[%get3A_543] {strides = array<i32>} : memref<4096xf32, #tpu.memory_space<vmem>>, vector<16xf32>,
      %add3A_545 = arith.addf %add3A_538, %get3A_544 : vector<16xf32>
      %abs3A_546 = math.absf %add3A_545 : vector<16xf32>
      %mul3A_547 = arith.constant -2.000000e+00 : f32
      %mul3A_548 = vector.broadcast %mul3A_547 : f32 to vector<16xf32>
      %mul3A_549 = arith.mulf %mul3A_548, %abs3A_546 : vector<16xf32>
      %exp3A_550 = math.exp %mul3A_549 : vector<16xf32>
      %sign3A_551 = tpu.bitcast %add3A_545 : vector<16xf32> -> vector<16xi32>
      %sign3A_552 = arith.constant -2147483648 : i32
      %sign3A_553 = vector.broadcast %sign3A_552 : i32 to vector<16xi32>
      %sign3A_554 = arith.andi %sign3A_551, %sign3A_553 : vector<16xi32>
      %sign3A_555 = arith.constant 1065353216 : i32
      %sign3A_556 = vector.broadcast %sign3A_555 : i32 to vector<16xi32>
      %sign3A_557 = arith.ori %sign3A_556, %sign3A_554 : vector<16xi32>
      %sign3A_558 = tpu.bitcast %sign3A_557 : vector<16xi32> -> vector<16xf32>
      %sign3A_559 = math.absf %add3A_545 : vector<16xf32>
      %sign3A_560 = arith.constant 0.000000e+00 : f32
      %sign3A_561 = vector.broadcast %sign3A_560 : f32 to vector<16xf32>
      %sign3A_562 = arith.cmpf ogt, %sign3A_559, %sign3A_561 : vector<16xf32>
      %sign3A_563 = arith.select %sign3A_562, %sign3A_558, %add3A_545 : vector<16xi1>, vector<16xf32>
      %sub3A_564 = arith.constant 1.000000e+00 : f32
      %sub3A_565 = vector.broadcast %sub3A_564 : f32 to vector<16xf32>
      %sub3A_566 = arith.subf %sub3A_565, %exp3A_550 : vector<16xf32>
      %mul3A_567 = arith.mulf %sign3A_563, %sub3A_566 : vector<16xf32>
      %add3A_568 = arith.constant 1.000000e+00 : f32
      %add3A_569 = vector.broadcast %add3A_568 : f32 to vector<16xf32>
      %add3A_570 = arith.addf %add3A_569, %exp3A_550 : vector<16xf32>
      %div3A_571 = arith.divf %mul3A_567, %add3A_570 : vector<16xf32>
      %swap3A_572 = arith.constant 32 : index
      %swap3A_573 = tpu.vector_load %arg18[%swap3A_572] {strides = array<i32>} : memref<64xf32, #tpu.memory_space<vmem>>, vector<16xf32>,
      tpu.vector_store %arg18[%swap3A_572], %div3A_571 {strides = array<i32>} : memref<64xf32, #tpu.memory_space<vmem>>, vector<16xf32>,
      %get3A_574 = arith.constant 48 : index
      %get3A_575 = tpu.vector_load %arg18[%get3A_574] {strides = array<i32>} : memref<64xf32, #tpu.memory_space<vmem>>, vector<16xf32>,
      %add3A_576 = arith.constant 0 : i32
      %add3A_577 = arith.addi %add3A_576, %mul3A_151 : i32
      %add3A_578 = arith.constant 48 : i32
      %add3A_579 = arith.addi %add3A_577, %add3A_578 : i32
      %get3A_580 = arith.index_cast %add3A_579 : i32 to index
      %get3A_581 = tpu.vector_load %arg17[%get3A_580] {strides = array<i32>} : memref<4096xf32, #tpu.memory_space<vmem>>, vector<16xf32>,
      %add3A_582 = arith.addf %get3A_575, %get3A_581 : vector<16xf32>
      %add3A_583 = arith.constant 256 : i32
      %add3A_584 = arith.addi %add3A_583, %mul3A_151 : i32
      %add3A_585 = arith.constant 48 : i32
      %add3A_586 = arith.addi %add3A_584, %add3A_585 : i32
      %get3A_587 = arith.index_cast %add3A_586 : i32 to index
      %get3A_588 = tpu.vector_load %arg17[%get3A_587] {strides = array<i32>} : memref<4096xf32, #tpu.memory_space<vmem>>, vector<16xf32>,
      %add3A_589 = arith.addf %add3A_582, %get3A_588 : vector<16xf32>
      %add3A_590 = arith.constant 512 : i32
      %add3A_591 = arith.addi %add3A_590, %mul3A_151 : i32
      %add3A_592 = arith.constant 48 : i32
      %add3A_593 = arith.addi %add3A_591, %add3A_592 : i32
      %get3A_594 = arith.index_cast %add3A_593 : i32 to index
      %get3A_595 = tpu.vector_load %arg17[%get3A_594] {strides = array<i32>} : memref<4096xf32, #tpu.memory_space<vmem>>, vector<16xf32>,
      %add3A_596 = arith.addf %add3A_589, %get3A_595 : vector<16xf32>
      %add3A_597 = arith.constant 768 : i32
      %add3A_598 = arith.addi %add3A_597, %mul3A_151 : i32
      %add3A_599 = arith.constant 48 : i32
      %add3A_600 = arith.addi %add3A_598, %add3A_599 : i32
      %get3A_601 = arith.index_cast %add3A_600 : i32 to index
      %get3A_602 = tpu.vector_load %arg17[%get3A_601] {strides = array<i32>} : memref<4096xf32, #tpu.memory_space<vmem>>, vector<16xf32>,
      %add3A_603 = arith.addf %add3A_596, %get3A_602 : vector<16xf32>
      %add3A_604 = arith.constant 1024 : i32
      %add3A_605 = arith.addi %add3A_604, %mul3A_151 : i32
      %add3A_606 = arith.constant 48 : i32
      %add3A_607 = arith.addi %add3A_605, %add3A_606 : i32
      %get3A_608 = arith.index_cast %add3A_607 : i32 to index
      %get3A_609 = tpu.vector_load %arg17[%get3A_608] {strides = array<i32>} : memref<4096xf32, #tpu.memory_space<vmem>>, vector<16xf32>,
      %add3A_610 = arith.addf %add3A_603, %get3A_609 : vector<16xf32>
      %add3A_611 = arith.constant 1280 : i32
      %add3A_612 = arith.addi %add3A_611, %mul3A_151 : i32
      %add3A_613 = arith.constant 48 : i32
      %add3A_614 = arith.addi %add3A_612, %add3A_613 : i32
      %get3A_615 = arith.index_cast %add3A_614 : i32 to index
      %get3A_616 = tpu.vector_load %arg17[%get3A_615] {strides = array<i32>} : memref<4096xf32, #tpu.memory_space<vmem>>, vector<16xf32>,
      %add3A_617 = arith.addf %add3A_610, %get3A_616 : vector<16xf32>
      %add3A_618 = arith.constant 1536 : i32
      %add3A_619 = arith.addi %add3A_618, %mul3A_151 : i32
      %add3A_620 = arith.constant 48 : i32
      %add3A_621 = arith.addi %add3A_619, %add3A_620 : i32
      %get3A_622 = arith.index_cast %add3A_621 : i32 to index
      %get3A_623 = tpu.vector_load %arg17[%get3A_622] {strides = array<i32>} : memref<4096xf32, #tpu.memory_space<vmem>>, vector<16xf32>,
      %add3A_624 = arith.addf %add3A_617, %get3A_623 : vector<16xf32>
      %add3A_625 = arith.constant 1792 : i32
      %add3A_626 = arith.addi %add3A_625, %mul3A_151 : i32
      %add3A_627 = arith.constant 48 : i32
      %add3A_628 = arith.addi %add3A_626, %add3A_627 : i32
      %get3A_629 = arith.index_cast %add3A_628 : i32 to index
      %get3A_630 = tpu.vector_load %arg17[%get3A_629] {strides = array<i32>} : memref<4096xf32, #tpu.memory_space<vmem>>, vector<16xf32>,
      %add3A_631 = arith.addf %add3A_624, %get3A_630 : vector<16xf32>
      %add3A_632 = arith.constant 2048 : i32
      %add3A_633 = arith.addi %add3A_632, %mul3A_151 : i32
      %add3A_634 = arith.constant 48 : i32
      %add3A_635 = arith.addi %add3A_633, %add3A_634 : i32
      %get3A_636 = arith.index_cast %add3A_635 : i32 to index
      %get3A_637 = tpu.vector_load %arg17[%get3A_636] {strides = array<i32>} : memref<4096xf32, #tpu.memory_space<vmem>>, vector<16xf32>,
      %add3A_638 = arith.addf %add3A_631, %get3A_637 : vector<16xf32>
      %add3A_639 = arith.constant 2304 : i32
      %add3A_640 = arith.addi %add3A_639, %mul3A_151 : i32
      %add3A_641 = arith.constant 48 : i32
      %add3A_642 = arith.addi %add3A_640, %add3A_641 : i32
      %get3A_643 = arith.index_cast %add3A_642 : i32 to index
      %get3A_644 = tpu.vector_load %arg17[%get3A_643] {strides = array<i32>} : memref<4096xf32, #tpu.memory_space<vmem>>, vector<16xf32>,
      %add3A_645 = arith.addf %add3A_638, %get3A_644 : vector<16xf32>
      %add3A_646 = arith.constant 2560 : i32
      %add3A_647 = arith.addi %add3A_646, %mul3A_151 : i32
      %add3A_648 = arith.constant 48 : i32
      %add3A_649 = arith.addi %add3A_647, %add3A_648 : i32
      %get3A_650 = arith.index_cast %add3A_649 : i32 to index
      %get3A_651 = tpu.vector_load %arg17[%get3A_650] {strides = array<i32>} : memref<4096xf32, #tpu.memory_space<vmem>>, vector<16xf32>,
      %add3A_652 = arith.addf %add3A_645, %get3A_651 : vector<16xf32>
      %add3A_653 = arith.constant 2816 : i32
      %add3A_654 = arith.addi %add3A_653, %mul3A_151 : i32
      %add3A_655 = arith.constant 48 : i32
      %add3A_656 = arith.addi %add3A_654, %add3A_655 : i32
      %get3A_657 = arith.index_cast %add3A_656 : i32 to index
      %get3A_658 = tpu.vector_load %arg17[%get3A_657] {strides = array<i32>} : memref<4096xf32, #tpu.memory_space<vmem>>, vector<16xf32>,
      %add3A_659 = arith.addf %add3A_652, %get3A_658 : vector<16xf32>
      %add3A_660 = arith.constant 3072 : i32
      %add3A_661 = arith.addi %add3A_660, %mul3A_151 : i32
      %add3A_662 = arith.constant 48 : i32
      %add3A_663 = arith.addi %add3A_661, %add3A_662 : i32
      %get3A_664 = arith.index_cast %add3A_663 : i32 to index
      %get3A_665 = tpu.vector_load %arg17[%get3A_664] {strides = array<i32>} : memref<4096xf32, #tpu.memory_space<vmem>>, vector<16xf32>,
      %add3A_666 = arith.addf %add3A_659, %get3A_665 : vector<16xf32>
      %add3A_667 = arith.constant 3328 : i32
      %add3A_668 = arith.addi %add3A_667, %mul3A_151 : i32
      %add3A_669 = arith.constant 48 : i32
      %add3A_670 = arith.addi %add3A_668, %add3A_669 : i32
      %get3A_671 = arith.index_cast %add3A_670 : i32 to index
      %get3A_672 = tpu.vector_load %arg17[%get3A_671] {strides = array<i32>} : memref<4096xf32, #tpu.memory_space<vmem>>, vector<16xf32>,
      %add3A_673 = arith.addf %add3A_666, %get3A_672 : vector<16xf32>
      %add3A_674 = arith.constant 3584 : i32
      %add3A_675 = arith.addi %add3A_674, %mul3A_151 : i32
      %add3A_676 = arith.constant 48 : i32
      %add3A_677 = arith.addi %add3A_675, %add3A_676 : i32
      %get3A_678 = arith.index_cast %add3A_677 : i32 to index
      %get3A_679 = tpu.vector_load %arg17[%get3A_678] {strides = array<i32>} : memref<4096xf32, #tpu.memory_space<vmem>>, vector<16xf32>,
      %add3A_680 = arith.addf %add3A_673, %get3A_679 : vector<16xf32>
      %add3A_681 = arith.constant 3840 : i32
      %add3A_682 = arith.addi %add3A_681, %mul3A_151 : i32
      %add3A_683 = arith.constant 48 : i32
      %add3A_684 = arith.addi %add3A_682, %add3A_683 : i32
      %get3A_685 = arith.index_cast %add3A_684 : i32 to index
      %get3A_686 = tpu.vector_load %arg17[%get3A_685] {strides = array<i32>} : memref<4096xf32, #tpu.memory_space<vmem>>, vector<16xf32>,
      %add3A_687 = arith.addf %add3A_680, %get3A_686 : vector<16xf32>
      %abs3A_688 = math.absf %add3A_687 : vector<16xf32>
      %mul3A_689 = arith.constant -2.000000e+00 : f32
      %mul3A_690 = vector.broadcast %mul3A_689 : f32 to vector<16xf32>
      %mul3A_691 = arith.mulf %mul3A_690, %abs3A_688 : vector<16xf32>
      %exp3A_692 = math.exp %mul3A_691 : vector<16xf32>
      %sign3A_693 = tpu.bitcast %add3A_687 : vector<16xf32> -> vector<16xi32>
      %sign3A_694 = arith.constant -2147483648 : i32
      %sign3A_695 = vector.broadcast %sign3A_694 : i32 to vector<16xi32>
      %sign3A_696 = arith.andi %sign3A_693, %sign3A_695 : vector<16xi32>
      %sign3A_697 = arith.constant 1065353216 : i32
      %sign3A_698 = vector.broadcast %sign3A_697 : i32 to vector<16xi32>
      %sign3A_699 = arith.ori %sign3A_698, %sign3A_696 : vector<16xi32>
      %sign3A_700 = tpu.bitcast %sign3A_699 : vector<16xi32> -> vector<16xf32>
      %sign3A_701 = math.absf %add3A_687 : vector<16xf32>
      %sign3A_702 = arith.constant 0.000000e+00 : f32
      %sign3A_703 = vector.broadcast %sign3A_702 : f32 to vector<16xf32>
      %sign3A_704 = arith.cmpf ogt, %sign3A_701, %sign3A_703 : vector<16xf32>
      %sign3A_705 = arith.select %sign3A_704, %sign3A_700, %add3A_687 : vector<16xi1>, vector<16xf32>
      %sub3A_706 = arith.constant 1.000000e+00 : f32
      %sub3A_707 = vector.broadcast %sub3A_706 : f32 to vector<16xf32>
      %sub3A_708 = arith.subf %sub3A_707, %exp3A_692 : vector<16xf32>
      %mul3A_709 = arith.mulf %sign3A_705, %sub3A_708 : vector<16xf32>
      %add3A_710 = arith.constant 1.000000e+00 : f32
      %add3A_711 = vector.broadcast %add3A_710 : f32 to vector<16xf32>
      %add3A_712 = arith.addf %add3A_711, %exp3A_692 : vector<16xf32>
      %div3A_713 = arith.divf %mul3A_709, %add3A_712 : vector<16xf32>
      %swap3A_714 = arith.constant 48 : index
      %swap3A_715 = tpu.vector_load %arg18[%swap3A_714] {strides = array<i32>} : memref<64xf32, #tpu.memory_space<vmem>>, vector<16xf32>,
      tpu.vector_store %arg18[%swap3A_714], %div3A_713 {strides = array<i32>} : memref<64xf32, #tpu.memory_space<vmem>>, vector<16xf32>,
      "tpu.region"() ({
        %run_scoped3A = tpu.sem_alloc : memref<!tpu.dma_semaphore, #tpu.memory_space<semaphore_mem>>
        %dma_start3A_716 = arith.constant 0 : i32
        %dma_start3A_717 = tpu.memref_slice %arg7[%arg1, %dma_start3A_716] : memref<4x64xf32, #tpu.memory_space<hbm>> -> memref<1x64xf32, #tpu.memory_space<hbm>>
        %dma_start3A_718 = tpu.memref_squeeze %dma_start3A_717 : memref<1x64xf32, #tpu.memory_space<hbm>> -> memref<64xf32, #tpu.memory_space<hbm>>
        %dma_start3A_719 = arith.constant 0 : i32
        %dma_start3A_720 = tpu.memref_slice %arg7[%arg1, %dma_start3A_719] : memref<4x64xf32, #tpu.memory_space<hbm>> -> memref<1x64xf32, #tpu.memory_space<hbm>>
        %dma_start3A_721 = tpu.memref_squeeze %dma_start3A_720 : memref<1x64xf32, #tpu.memory_space<hbm>> -> memref<64xf32, #tpu.memory_space<hbm>>
        tpu.enqueue_dma source(%arg18 : memref<64xf32, #tpu.memory_space<vmem>>) target(%dma_start3A_721 : memref<64xf32, #tpu.memory_space<hbm>>) target_semaphore(%run_scoped3A : memref<!tpu.dma_semaphore, #tpu.memory_space<semaphore_mem>>)
        %dma_wait3A_722 = arith.constant 0 : i32
        %dma_wait3A_723 = tpu.memref_slice %arg7[%arg1, %dma_wait3A_722] : memref<4x64xf32, #tpu.memory_space<hbm>> -> memref<1x64xf32, #tpu.memory_space<hbm>>
        %dma_wait3A_724 = tpu.memref_squeeze %dma_wait3A_723 : memref<1x64xf32, #tpu.memory_space<hbm>> -> memref<64xf32, #tpu.memory_space<hbm>>
        %dma_wait3A_725 = arith.constant 0 : i32
        %dma_wait3A_726 = tpu.memref_slice %arg7[%arg1, %dma_wait3A_725] : memref<4x64xf32, #tpu.memory_space<hbm>> -> memref<1x64xf32, #tpu.memory_space<hbm>>
        %dma_wait3A_727 = tpu.memref_squeeze %dma_wait3A_726 : memref<1x64xf32, #tpu.memory_space<hbm>> -> memref<64xf32, #tpu.memory_space<hbm>>
        tpu.wait_dma2 semaphore(%run_scoped3A : memref<!tpu.dma_semaphore, #tpu.memory_space<semaphore_mem>>) src(%arg18 : memref<64xf32, #tpu.memory_space<vmem>>) dst(%dma_wait3A_727 : memref<64xf32, #tpu.memory_space<hbm>>)
        tpu.yield
      }) : () -> ()
    } else {
    }
    return
  }
}

</mosaic_0001>

<sc_bundles>
// kernel: kernel.3.cloned.1.call-start
scs
__scs_entry_jumppad:
0x0: {  	(pc) =	sbr.rel $0x88, $3  }
0x1: {  	(tag) =	ssettag $0x0;
	lr =	simm.s32 $0x1  }
0x2: {  	[smem:$0x3F9D] =	sst lr;
	_ =	strace $0xD0000000  }
0x3: {  	_ = 	snop  }
0x4: {  	_ = 	snop  }
0x5: {  	_ = 	snop  }
0x6: {  	_ = 	snop  }
0x7: {  	_ = 	snop  }
__scs_overlays_trampoline_lowered:
0x8: {  	[smem:$0x3FAC] =	sst s0  }
0x9: {  	[smem:$0x3FAD] =	sst s1  }
0xa: {  	[smem:$0x3FAE] =	sst s2  }
0xb: {  	[smem:$0x3FAF] =	sst s3  }
0xc: {  	[smem:$0x3FB0] =	sst s4  }
0xd: {  	[smem:$0x3FB1] =	sst s5  }
0xe: {  	[smem:$0x3FB2] =	sst s6  }
0xf: {  	[smem:$0x3FB3] =	sst s7  }
0x10: {  	[smem:$0x3FB4] =	sst s8  }
0x11: {  	[smem:$0x3FB5] =	sst s9;
	s0 =	simm.s32 @!p0 $0x0  }
0x12: {  	s1 =	sld [smem:$0x3F9B];
	s0 =	simm.s32 @p0 $0x1  }
0x13: {  	[smem:$0x3FB6] =	sst s0;
	s0 =	simm.s32 @!p1 $0x0  }
0x14: {  	s2 =	sld [smem:$0x3F9A];
	s0 =	simm.s32 @p1 $0x1  }
0x15: {  	[smem:$0x3FB7] =	sst s0;
	s0 =	simm.s32 @!p2 $0x0  }
0x16: {  	s3 =	sld [smem:$0x3FDB];
	s0 =	simm.s32 @p2 $0x1  }
0x17: {  	s4 =	simm.s32 $0x1BF5;
	[smem:$0x3FB9] =	sst s0  }
0x18: {  	s0 =	sld [smem:$0x3F9C];
	_ =	swait.ge [sflag:s4], $0x0  }
0x19: {  	s7 =	sld [smem:$0x3F9D]  }
0x1a: {  	s8 =	sadd.s32 $0xFFFFE003, lr  }
0x1b: {  	s9 =	sadd.s32 $0xFFFFFEF7, lr;
	s5 =	simm.s32 $0xFFFFFFFF;
	p2 =	slt.u32 s8, $0xFFFFF086  }
0x1c: {  	p1 =	slt.u32 s9, $0xF7A;
	s5 =	simm.s32 @!p2 $0x0  }
0x1d: {  	s5 =	simm.s32 @p1 $0x1;
	p0 =	seq.s32 s7, s2  }
0x1e: {  	s7 =	smul.u32 @!p0 $0xF7A, s2;
	p2 =	seq.s32 @!p0 s5, $0x0  }
0x1f: {  	s9 =	smul.u32 $0xF7A, s1;
	s8 =	simm.s32 @!p0 $0x1BF5;
	p2 =	por !p2, p0  }
0x20: {  	[sflag:s8] =	ssyncset.s32 @!p0 $0xFFFFF086;
	s6 =	sadd.s32 @!p0 s3, s7;
	s7 =	simm.s32 @!p0 $0x108  }
0x21: {  	s3 =	sadd.s32 s3, s9;
	s6 =	sadd.s32 @!p0 $0x88, s6;
	s7 =	simm.s32 @p2 $0x1082  }
0x22: {  	[simem:s7], [sflag:s8] =	dma.local @!p0 [hbm:s6], $0xF7A  }
0x23: {  	s9 =	sor.u32 $0xD0000000, s2;
	s6 =	simm.s32 $0x108;
	_ =	swait.ge @!p0 [sflag:s8], $0x0  }
0x24: {  	s3 =	sadd.s32 $0x88, s3;
	s6 =	simm.s32 @!p1 $0x1082;
	[sflag:s4] =	ssyncset.s32 $0xFFFFF086  }
0x25: {  	[simem:s6], [sflag:s4] =	dma.local [hbm:s3], $0xF7A  }
0x26: {  	[smem:$0x3F9D] =	sst s1;
	(tag) =	ssettag s2;
	_ =	strace s9  }
0x27: {  	s1 =	sld [smem:$0x3FAD]  }
0x28: {  	s2 =	sld [smem:$0x3FAE]  }
0x29: {  	s4 =	sld [smem:$0x3FB0]  }
0x2a: {  	p0 =	seq.s32 s5, $0x0;
	s5 =	sld [smem:$0x3FB1]  }
0x2b: {  	s6 =	sld [smem:$0x3FB2]  }
0x2c: {  	s7 =	sld [smem:$0x3FB3]  }
0x2d: {  	s3 =	simm.s32 $0x108;
	s8 =	sld [smem:$0x3FB4]  }
0x2e: {  	s3 =	simm.s32 @!p0 $0x1082;
	s9 =	sld [smem:$0x3FB5]  }
0x2f: {  	lr =	sadd.s32 s0, s3;
	s0 =	sld [smem:$0x3FAC]  }
0x30: {  	s3 =	sld [smem:$0x3FAF]  }
0x31: {  	[smem:$0x3FB8] =	sst s10  }
0x32: {  	s10 =	sld [smem:$0x3FB6];
	_ =	sdelay $0x3  }
0x33: {  	p0 =	seq.s32 s10, $0x1;
	s10 =	sld [smem:$0x3FB8];
	_ =	sdelay $0x3  }
0x34: {  	[smem:$0x3FB8] =	sst s10  }
0x35: {  	s10 =	sld [smem:$0x3FB7];
	_ =	sdelay $0x3  }
0x36: {  	p1 =	seq.s32 s10, $0x1;
	s10 =	sld [smem:$0x3FB8];
	_ =	sdelay $0x3  }
0x37: {  	[smem:$0x3FB8] =	sst s10  }
0x38: {  	s10 =	sld [smem:$0x3FB9]  }
0x39: {  	_ = 	snop;
	(pc) =	sbr.ind lr, $3  }
0x3a: {  	_ = 	snop  }
0x3b: {  	_ = 	snop  }
0x3c: {  	p2 =	seq.s32 s10, $0x1;
	s10 =	sld [smem:$0x3FB8]  }
0x3d: {  	_ =	shalt  }
0x3e: {  	_ =	shalt  }
0x3f: {  	_ =	shalt  }
0x40: {  	_ =	shalt  }
0x41: {  	_ =	shalt  }
0x42: {  	_ =	shalt  }
0x43: {  	_ =	shalt  }
0x44: {  	_ =	shalt  }
0x45: {  	_ =	shalt  }
0x46: {  	_ =	shalt  }
0x47: {  	_ =	shalt  }
0x48: {  	_ =	shalt  }
0x49: {  	_ =	shalt  }
0x4a: {  	_ =	shalt  }
0x4b: {  	_ =	shalt  }
0x4c: {  	_ =	shalt  }
0x4d: {  	_ =	shalt  }
0x4e: {  	_ =	shalt  }
0x4f: {  	_ =	shalt  }
0x50: {  	_ =	shalt  }
0x51: {  	_ =	shalt  }
0x52: {  	_ =	shalt  }
0x53: {  	_ =	shalt  }
0x54: {  	_ =	shalt  }
0x55: {  	_ =	shalt  }
0x56: {  	_ =	shalt  }
0x57: {  	_ =	shalt  }
0x58: {  	_ =	shalt  }
0x59: {  	_ =	shalt  }
0x5a: {  	_ =	shalt  }
0x5b: {  	_ =	shalt  }
0x5c: {  	_ =	shalt  }
0x5d: {  	_ =	shalt  }
0x5e: {  	_ =	shalt  }
0x5f: {  	_ =	shalt  }
0x60: {  	_ =	shalt  }
0x61: {  	_ =	shalt  }
0x62: {  	_ =	shalt  }
0x63: {  	_ =	shalt  }
0x64: {  	_ =	shalt  }
0x65: {  	_ =	shalt  }
0x66: {  	_ =	shalt  }
0x67: {  	_ =	shalt  }
0x68: {  	_ =	shalt  }
0x69: {  	_ =	shalt  }
0x6a: {  	_ =	shalt  }
0x6b: {  	_ =	shalt  }
0x6c: {  	_ =	shalt  }
0x6d: {  	_ =	shalt  }
0x6e: {  	_ =	shalt  }
0x6f: {  	_ =	shalt  }
0x70: {  	_ =	shalt  }
0x71: {  	_ =	shalt  }
0x72: {  	_ =	shalt  }
0x73: {  	_ =	shalt  }
0x74: {  	_ =	shalt  }
0x75: {  	_ =	shalt  }
0x76: {  	_ =	shalt  }
0x77: {  	_ =	shalt  }
0x78: {  	_ =	shalt  }
0x79: {  	_ =	shalt  }
0x7a: {  	_ =	shalt  }
0x7b: {  	_ =	shalt  }
0x7c: {  	_ =	shalt  }
0x7d: {  	_ =	shalt  }
0x7e: {  	_ =	shalt  }
0x7f: {  	_ =	shalt  }
0x80: {  	_ =	shalt  }
0x81: {  	_ =	shalt  }
0x82: {  	_ =	shalt  }
0x83: {  	_ =	shalt  }
0x84: {  	_ =	shalt  }
0x85: {  	_ =	shalt  }
0x86: {  	_ =	shalt  }
0x87: {  	_ =	shalt  }
.Lfunc_end0:
.L_simem_size_0:
called_computation_lowered:
.L_overlay_start_0:
0x88: {  	s0 =	sld [smem:$0x3FD9]  }
0x89: {  	s1 =	sld [smem:$0x3FFE];
	_ =	sdelay $0x3  }
0x8a: {  	s0 =	sadd.s32 s1, s0  }
0x8b: {  	[smem:$0x3FC4] =	sst s0  }
0x8c: {  	_ = 	snop  }
0x8d: {  	s0 =	sld [smem:$0x3FC9]  }
0x8e: {  	s16 =	sld [smem:$0x3FC8]  }
0x8f: {  	s2 =	sld [smem:$0x3FC7]  }
0x90: {  	s3 =	sld [smem:$0x3FC6]  }
0x91: {  	s4 =	sld [smem:$0x3FD0];
	(tm) =	ssettm $0x1  }
0x92: {  	s5 =	sld [smem:$0x3FFB];
	_ =	sdelay $0x3  }
0x93: {  	_ =	strace s5  }
0x94: {  	s5 =	sld [smem:$0x3FFC];
	_ =	sdelay $0x3  }
0x95: {  	_ =	strace s5  }
0x96: {  	s5 =	sld [smem:$0x3FFD];
	_ =	sdelay $0x3  }
0x97: {  	_ =	strace s5  }
0x98: {  	_ =	strace $0x8FFFFFFF  }
0x99: {  	s17 =	sld [smem:$0x3FDB];
	_ =	sdelay $0x1  }
0x9a: {  	s6 =	simm.s32 $_scs_section_size  }
0x9b: {  	s7 =	simm.s32 $_size__tile_overlayer_lowered;
	s8 =	simm.s32 $_tile_overlayer_lowered  }
0x9c: {  	s20 =	simm.s32 $0x1BFF;
	s19 =	sshll.u32 s8, $0x1;
	s5 =	sadd.s32 s6, s17  }
0x9d: {  	s9 =	simm.s32 $0x0;
	s18 =	sshll.u32 s7, $0x1;
	s7 =	sadd.s32 s19, s5  }
0x9e: {  	[timem:s9], [sflag:s20] =	dma.local [hbm:s7], s18  }
0x9f: {  	_ =	swait.ge [sflag:s20], s18  }
0xa0: {  	s6 =	ssub.s32 $0x0, s18;
	[sflag:s20] =	ssyncset.done $0x0  }
0xa1: {  	[sflag:s20] =	ssyncadd.s32 s6;
	_ =	sdelay $0x1  }
0xa2: {  	s21 =	simm.s32 $0x1B8B  }
0xa3: {  	_ =	swait.ge [sflag:s21], $0x1  }
0xa4: {  	[sflag:s21] =	ssyncset.done $0x0  }
0xa5: {  	s23 =	simm.s32 $0x1B8E;
	s22 =	sld [smem:$0x3FFE];
	[sflag:s21] =	ssyncadd.s32 $0xFFFFFFFF  }
0xa6: {  	s24 =	simm.s32 $execute0_lowered;
	[smem:$0x3FD2] =	sst s23  }
0xa7: {  	s7 =	sshll.u32 s24, $0x1;
	_ =	strace $0x80000046;
	[dreg:$0x1] =	wrdreg $0xFFFFFFFF  }
0xa8: {  	s25 =	simm.s32 $_size_execute0_lowered;
	s5 =	sadd.s32 s5, s7;
	[dreg:$0x0] =	wrdreg $0x0  }
0xa9: {  	s7 =	sshll.u32 s25, $0x1;
	[dreg:$0x2] =	wrdreg s5  }
0xaa: {  	[dreg:$0x3] =	wrdreg s7  }
0xab: {  	[dreg:$0x4] =	wrdreg $0xC0  }
0xac: {  	_ =	task [dreg:s9], $0x5FFFF  }
0xad: {  	[dreg:$0x1] =	wrdreg $0xFFFFFFFF  }
0xae: {  	[dreg:$0x0] =	wrdreg $0x60  }
0xaf: {  	[dreg:$0x2] =	wrdreg s16  }
0xb0: {  	[dreg:$0x3] =	wrdreg s2  }
0xb1: {  	[dreg:$0x4] =	wrdreg s0  }
0xb2: {  	[dreg:$0x5] =	wrdreg s3  }
0xb3: {  	[dreg:$0x6] =	wrdreg s22  }
0xb4: {  	[dreg:$0x7] =	wrdreg s4  }
0xb5: {  	[dreg:$0x8] =	wrdreg $0xA5800  }
0xb6: {  	[dreg:$0x9] =	wrdreg $0xC5800  }
0xb7: {  	[dreg:$0xa] =	wrdreg $0xC7800  }
0xb8: {  	[dreg:$0xb] =	wrdreg $0x9  }
0xb9: {  	_ =	task.clear_ibuf [dreg:s9], $0xCFFFF;
	_ =	strace $0x90000046  }
0xba: {  	s26 =	simm.s32 $0x9;
	_ =	strace $0x8000004F  }
0xbb: {  	_ =	swait.ge [sflag:s26], $0x1  }
0xbc: {  	[sflag:s26] =	ssyncadd.s32 $0xFFFFFFFF  }
0xbd: {  	_ =	strace $0x9000004F  }
0xbe: {  	_ =	sfence  }
0xbf: {  	s28 =	sld [smem:$0x0];
	_ =	sdelay $0x1  }
0xc0: {  	s29 =	srdreg.scid  }
0xc1: {  	s30 =	sshll.u32 s29, $0xD;
	s31 =	sshrl.u32 s29, $0x2  }
0xc2: {  	s1 =	sand.u32 $0x1, s29;
	s2 =	sand.u32 $0x4000, s30;
	s0 =	sadd.s32 s31, s28  }
0xc3: {  	s1 =	sor.u32 s2, s1;
	s0 =	sshll.u32 s0, $0x11  }
0xc4: {  	s0 =	sor.u32 s0, s1  }
0xc5: {  	s0 =	sadd.s32 $0x8F2B, s0  }
0xc6: {  	[sflag:s0] =	ssyncadd.remote.s32 $0x1  }
0xc7: {  	_ =	sfence.sel $0xFFFF  }
0xc8: {  	[dreg:$0x0] =	wrdreg $0xFFFFFFFF;
	(pc) =	sbr.abs _section_cstart, $3  }
0xc9: {  	[dreg:$0x1] =	wrdreg $0xFFFFFFFF  }
0xca: {  	_ =	task.clear_ibuf [dreg:s9], $0x2FFFF;
	_ =	strace $0x9FFFFFFF  }
0xcb: {  	(tm) =	ssettm $0x7FFFFFFF  }
tec
execute0_lowered:
.L_overlay_start_1:
0x0: {  	(tag) =	ssettag $0x1  }
0x1: {  	s0 =	rddreg [dreg:$0x0]  }
0x2: {  	s2 =	rddreg [dreg:$0x1]  }
0x3: {  	s7 =	rddreg [dreg:$0x2]  }
0x4: {  	s9 =	rddreg [dreg:$0x3]  }
0x5: {  	s8 =	rddreg [dreg:$0x4]  }
0x6: {  	s5 =	rddreg [dreg:$0x5]  }
0x7: {  	s10 =	rddreg [dreg:$0x6]  }
0x8: {  	s4 =	rddreg [dreg:$0x7];
	s1 =	stileid.u32  }
0x9: {  	s3 =	rddreg [dreg:$0x8];
	s6 =	simm.s32 $0x0;
	s11 =	smul.u32 $0x140, s1  }
0xa: {  	s18 =	simm.s32 $0x80;
	[smem:$0x7FF] =	sst s6  }
0xb: {  	s12 =	simm.s32 $0x100;
	_ =	strace $0x80000047;
	s0 =	sadd.s32 s0, s11  }
0xc: {  	[tilespmem:s6], [sflag:$0x1] =	stream.strided.gather [hbm4b:s0+s18], $0x500, s12, s18, $0x38;
	[tilespmem:$0xC880] =	vst v63  }
0xd: {  	s14 =	simm.s32 $0x500;
	s13 =	smul.u32 $0xA0, s1;
	s0 =	sadd.s32 $0x10, s0  }
0xe: {  	[tilespmem:s14], [sflag:$0x1] =	stream.strided.gather [hbm4b:s0+s18], $0x500, s12, s18, $0x38;
	[tilespmem:$0xC880] =	vst v63  }
0xf: {  	s20 =	simm.s32 $0xA00;
	s19 =	sadd.s32 s2, s13  }
0x10: {  	[tilespmem:s20], [sflag:$0x1] =	stream.linear.gather [hbm4b:s19+s6], $0x500, $0x38;
	[tilespmem:$0xC880] =	vst v63  }
0x11: {  	s21 =	simm.s32 $0xF00  }
0x12: {  	[tilespmem:s21], [sflag:$0x1] =	stream.linear.gather [hbm4b:s7+s6], $0x200, $0x38;
	[tilespmem:$0xC880] =	vst v63  }
0x13: {  	s23 =	simm.s32 $0x1100;
	s22 =	sadd.s32 $0x400, s8;
	s2 =	sshll.u32 s1, $0x6  }
0x14: {  	[tilespmem:s23], [sflag:$0x1] =	stream.linear.gather [hbm4b:s22+s6], $0x2000, $0x38;
	[tilespmem:$0xC880] =	vst v63  }
0x15: {  	s24 =	simm.s32 $0x7300;
	s14 =	sand.u32 $0xC0, s2  }
0x16: {  	[tilespmem:s24], [sflag:$0x1] =	stream.linear.gather [hbm4b:s22+s6], $0x100, $0x38;
	[tilespmem:$0xC880] =	vst v63  }
0x17: {  	s26 =	simm.s32 $0x7100;
	s25 =	sadd.s32 s9, s14  }
0x18: {  	[tilespmem:s26], [sflag:$0x1] =	stream.linear.gather [hbm4b:s25+s6], $0x200, $0x38;
	[tilespmem:$0xC880] =	vst v63  }
0x19: {  	s28 =	simm.s32 $0x1;
	_ =	strace $0x80000048  }
0x1a: {  	_ =	swait.ge [sflag:s28], $0x500  }
0x1b: {  	[sflag:s28] =	ssyncset.done $0x0  }
0x1c: {  	[sflag:s28] =	ssyncadd.s32 $0xFFFFFB00  }
0x1d: {  	_ =	swait.ge [sflag:s28], $0x500  }
0x1e: {  	[sflag:s28] =	ssyncset.done $0x0  }
0x1f: {  	[sflag:s28] =	ssyncadd.s32 $0xFFFFFB00  }
0x20: {  	_ =	swait.ge [sflag:s28], $0x500  }
0x21: {  	[sflag:s28] =	ssyncset.done $0x0  }
0x22: {  	[sflag:s28] =	ssyncadd.s32 $0xFFFFFB00  }
0x23: {  	_ =	swait.ge [sflag:s28], $0x200  }
0x24: {  	[sflag:s28] =	ssyncset.done $0x0  }
0x25: {  	[sflag:s28] =	ssyncadd.s32 $0xFFFFFE00  }
0x26: {  	_ =	swait.ge [sflag:s28], $0x2000  }
0x27: {  	[sflag:s28] =	ssyncset.done $0x0  }
0x28: {  	[sflag:s28] =	ssyncadd.s32 $0xFFFFE000  }
0x29: {  	_ =	swait.ge [sflag:s28], $0x100  }
0x2a: {  	[sflag:s28] =	ssyncset.done $0x0  }
0x2b: {  	[sflag:s28] =	ssyncadd.s32 $0xFFFFFF00  }
0x2c: {  	_ =	swait.ge [sflag:s28], $0x200  }
0x2d: {  	[sflag:s28] =	ssyncset.done $0x0  }
0x2e: {  	[sflag:s28] =	ssyncadd.s32 $0xFFFFFE00  }
0x2f: {  	_ =	strace $0x90000048  }
0x30: {  	s29 =	simm.s32 $0x0;
	_ =	strace $0x80000049  }
0x31: {  	v0 =	vld [tilespmem:s29+$0x0]  }
0x32: {  	v1 =	vld [tilespmem:s29+$0x500];
	_ =	sdelay $0x3  }
0x33: {  	vm0 =	vlt.s32 v0, $0x80  }
0x34: {  	vm1 =	vgt.s32 v1, $0x7BF;
	v2 =	vmpcnt.ones.xlane vm0  }
0x35: {  	v3 =	vmpcnt.ones.xlane vm1  }
0x36: {  	v2 =	vxor.u32 $0x80000000, v2  }
0x37: {  	v3 =	vxor.u32 $0x80000000, v3;
	(xrf0) =	vmax.scan.msk.u32 $0xffff, v2  }
0x38: {  	(xrf0) =	vmax.scan.msk.u32 $0xffff, v3;
	_ =	sdelay $0x1  }
0x39: {  	v2 =	vld [tilespmem:s29+$0xA00];
	_ =	sdelay $0x2  }
0x3a: {  	[tilespmem:s6+$0x8480] =	vst.msk vm0, v0;
	v3, _, _ =	vpop (xrf0)  }
0x3b: {  	[tilespmem:s6+$0x8A00] =	vst.msk vm0, v1;
	(v2sf) =	vpush v3, $0xF;
	v3, _, _ =	vpop (xrf0)  }
0x3c: {  	[tilespmem:s6+$0x8F80] =	vst.msk vm0, v2;
	(v2sf) =	vpush v3, $0xF  }
0x3d: {  	[tilespmem:s6+$0x9500] =	vst.msk vm1, v0  }
0x3e: {  	[tilespmem:s6+$0x9A80] =	vst.msk vm1, v1  }
0x3f: {  	s30 =	simm.s32 $0x10;
	[tilespmem:s6+$0xA000] =	vst.msk vm1, v2  }
0x40: {  	v1 =	vld [tilespmem:s30+$0x0]  }
0x41: {  	v0 =	vld [tilespmem:s30+$0x500];
	_ =	sdelay $0x3  }
0x42: {  	vm1 =	vlt.s32 v1, $0x80  }
0x43: {  	vm0 =	vgt.s32 v0, $0x7BF;
	v2 =	vmpcnt.ones.xlane vm1  }
0x44: {  	v3 =	vmpcnt.ones.xlane vm0  }
0x45: {  	v2 =	vxor.u32 $0x80000000, v2  }
0x46: {  	v3 =	vxor.u32 $0x80000000, v3;
	(xrf0) =	vmax.scan.msk.u32 $0xffff, v2  }
0x47: {  	(xrf0) =	vmax.scan.msk.u32 $0xffff, v3;
	s31 =	spop (v2sf)  }
0x48: {  	s0 =	simm.s32 $0x80;
	v2 =	vld [tilespmem:s30+$0xA00];
	s7 =	sadd.s32 $0x0, s31;
	s8 =	spop (v2sf)  }
.LBB2_1:
0x49: {  	s7 =	sadd.s32 $0x80000000, s7  }
0x4a: {  	s6 =	sadd.s32 s8, s6;
	s8 =	smov.u32 s0;
	s11 =	sadd.s32 $0x40, s0  }
0x4b: {  	p0 =	sne.s32 s0, $0x13C0;
	[tilespmem:s7+$0x8480] =	vst.msk vm1, v1;
	s6 =	sadd.s32 $0x80000000, s6  }
0x4c: {  	[tilespmem:s7+$0x8A00] =	vst.msk vm1, v0;
	v3, _, _ =	vpop (xrf0)  }
0x4d: {  	[tilespmem:s7+$0x8F80] =	vst.msk vm1, v2;
	(v2sf) =	vpush v3, $0xF;
	v3, _, _ =	vpop (xrf0)  }
0x4e: {  	[tilespmem:s6+$0x9500] =	vst.msk vm0, v1;
	(v2sf) =	vpush v3, $0xF  }
0x4f: {  	[tilespmem:s6+$0x9A80] =	vst.msk vm0, v0  }
0x50: {  	s0 =	sshra.s32 s8, $0x2;
	[tilespmem:s6+$0xA000] =	vst.msk vm0, v2  }
0x51: {  	v1 =	vld [tilespmem:s0+$0x0]  }
0x52: {  	v0 =	vld [tilespmem:s0+$0x500];
	_ =	sdelay $0x3  }
0x53: {  	vm1 =	vlt.s32 v1, $0x80  }
0x54: {  	vm0 =	vgt.s32 v0, $0x7BF;
	v2 =	vmpcnt.ones.xlane vm1  }
0x55: {  	v3 =	vmpcnt.ones.xlane vm0  }
.Ltmp0:
0x56: {  	v2 =	vxor.u32 $0x80000000, v2;
	(pc) =	sbr.rel @p0 .LBB2_1-.Ltmp0, $4  }
0x57: {  	v3 =	vxor.u32 $0x80000000, v3;
	(xrf0) =	vmax.scan.msk.u32 $0xffff, v2  }
0x58: {  	(xrf0) =	vmax.scan.msk.u32 $0xffff, v3  }
0x59: {  	v2 =	vld [tilespmem:s0+$0xA00];
	s0 =	spop (v2sf)  }
0x5a: {  	s7 =	sadd.s32 s0, s7;
	s8 =	spop (v2sf);
	s0 =	smov.u32 s11  }
0x5b: {  	_ =	sdelay $0x1  }
0x5c: {  	v3, _, _ =	vpop (xrf0)  }
0x5d: {  	(v2sf) =	vpush v3, $0xF;
	_ =	sdelay $0x8  }
0x5e: {  	v63, _, _ =	vpop (xrf0)  }
0x5f: {  	(v2sf) =	vpush v63, $0xF;
	_ =	sdelay $0x4  }
0x60: {  	s15 =	sadd.s32 $0x80000000, s7;
	s0 =	spop (v2sf)  }
0x61: {  	s28 =	sadd.s32 s0, s15  }
0x62: {  	s12 =	sadd.s32 $0x80000000, s28  }
0x63: {  	s12 =	sadd.s32 $0xF, s12  }
0x64: {  	s16 =	sand.u32 $0xF, s12  }
0x65: {  	s17 =	sshra.s32 s12, $0x1F;
	p0 =	slt.s32 s12, $0x1;
	p1 =	sne.s32 s16, $0x0  }
0x66: {  	s30 =	sshrl.u32 s17, $0x1C;
	p0 =	por !p0, !p1  }
0x67: {  	[tilespmem:s15+$0x8480] =	vst.msk vm1, v1;
	s16 =	simm.s32 $0x1;
	s12 =	sadd.s32 s30, s12;
	p0 =	por !p0, !p0  }
0x68: {  	s6 =	sadd.s32 s8, s6;
	[tilespmem:s15+$0x8A00] =	vst.msk vm1, v0;
	s18 =	sshra.s32 s12, $0x4;
	s16 =	simm.s32 @!p0 $0x0  }
0x69: {  	s6 =	sadd.s32 $0x80000000, s6;
	[tilespmem:s15+$0x8F80] =	vst.msk vm1, v2;
	s20 =	ssub.s32 s18, s16  }
0x6a: {  	s29 =	sshll.u32 s1, $0xD;
	[tilespmem:s6+$0x9500] =	vst.msk vm0, v1;
	s7 =	spop (v2sf);
	p0 =	slt.s32 s20, $0x1  }
.Ltmp1:
0x6b: {  	s13 =	sshll.u32 s1, $0x7;
	[tilespmem:s6+$0x9A80] =	vst.msk vm0, v0;
	s11 =	sadd.s32 s7, s6;
	(pc) =	sbr.rel @p0 .LBB2_9-.Ltmp1, $4  }
0x6c: {  	s31 =	sshll.u32 s1, $0xC;
	[tilespmem:s6+$0xA000] =	vst.msk vm0, v2;
	s8 =	sadd.s32 $0x80000000, s11;
	s11 =	sand.u32 $0x10000, s29  }
0x6d: {  	s13 =	sand.u32 $0x380, s13;
	_ =	strace $0x90000049;
	s11 =	sadd.s32 s11, s10  }
0x6e: {  	s26 =	sshll.u32 s1, $0x4;
	_ =	strace $0x8000004A;
	s13 =	sadd.s32 s13, s11  }
0x6f: {  	s11 =	sshll.u32 s1, $0x8;
	s12 =	sadd.s32 s31, s10;
	s10 =	sshll.u32 s1, $0x9  }
0x70: {  	p1 =	sne.s32 s20, $0x1  }
.Ltmp2:
0x71: {  	_ = 	snop;
	(pc) =	sbr.rel @!p1 .LBB2_4-.Ltmp2, $4  }
0x72: {  	_ = 	snop  }
0x73: {  	s0 =	sadd.s32 s15, s0;
	s31 =	simm.s32 $0x8480;
	s19 =	simm.s32 $0x8A00  }
0x74: {  	s17 =	simm.s32 $0x8F80;
	s15 =	simm.s32 $0xF00;
	s16 =	simm.s32 $0x1100  }
0x75: {  	v0 =	vlaneseq.u32;
	p0 =	por $0x0, $0x0;
	s18 =	sadd.s32 $0x80000000, s0;
	v1 =	vld [tilespmem:s31+$0x0];
	s0 =	sadd.s32 $0xFFFFFFFF, s20  }
0x76: {  	_ =	sdelay $0x1  }
0x77: {  	v2 =	vmov s18  }
0x78: {  	vm0 =	vgt.s32 v2, v0  }
0x79: {  	v1 =	vnsel vm0, $0x0, v1;
	_ =	sdelay $0x1  }
0x7a: {  	v2 =	vld [tilespmem:s19+$0x0];
	_ =	sdelay $0x1  }
0x7b: {  	v3 =	vld [tilespmem:s17+$0x0]  }
0x7c: {  	v4 =	vld.idx.msk [tilespmem:v1+s15+$0x0], $0xffff;
	_ =	sdelay $0x1  }
0x7d: {  	v2 =	vnsel vm0, $0x0, v2  }
0x7e: {  	v5 =	vadd.s32 $0x80, v1;
	_ =	sdelay $0x1  }
0x7f: {  	v4 =	vmul.f32 v4, v3;
	_ =	sdelay $0x1  }
0x80: {  	[tilespmem:v2+s16+$0x0] =	vst.idx.add.f32.msk vm0, v4  }
0x81: {  	v4 =	vld.idx.msk [tilespmem:v5+s15+$0x0], $0xffff;
	_ =	sdelay $0x1  }
0x82: {  	v62 =	vadd.s32 $0x800, v2  }
0x83: {  	v6 =	vadd.s32 $0x100, v1;
	_ =	sdelay $0x1  }
0x84: {  	v4 =	vmul.f32 v4, v3;
	_ =	sdelay $0x1  }
0x85: {  	[tilespmem:v62+s16+$0x0] =	vst.idx.add.f32.msk vm0, v4  }
0x86: {  	v4 =	vld.idx.msk [tilespmem:v6+s15+$0x0], $0xffff;
	_ =	sdelay $0x1  }
0x87: {  	v63 =	vadd.s32 $0x1000, v2  }
0x88: {  	v1 =	vadd.s32 $0x180, v1;
	_ =	sdelay $0x1  }
0x89: {  	v4 =	vmul.f32 v4, v3;
	_ =	sdelay $0x1  }
0x8a: {  	[tilespmem:v63+s16+$0x0] =	vst.idx.add.f32.msk vm0, v4  }
0x8b: {  	v1 =	vld.idx.msk [tilespmem:v1+s15+$0x0], $0xffff;
	_ =	sdelay $0x1  }
0x8c: {  	v2 =	vadd.s32 $0x1800, v2  }
0x8d: {  	p1 =	sne.s32 s0, $0x1  }
.Ltmp3:
0x8e: {  	_ = 	snop;
	(pc) =	sbr.rel @!p1 .LBB2_21-.Ltmp3, $3  }
0x8f: {  	v1 =	vmul.f32 v1, v3;
	_ =	sdelay $0x1  }
0x90: {  	s21 =	simm.s32 $0x8490;
	s22 =	sadd.s32 $0xFFFFFFFF, s0;
	[tilespmem:v2+s16+$0x0] =	vst.idx.add.f32.msk vm0, v1  }
0x91: {  	p0 =	por $0x1, $0x1;
	s20 =	simm.s32 $0x8F80;
	s19 =	simm.s32 $0x8A10;
	v1 =	vld [tilespmem:s21+$0x0]  }
0x92: {  	s0 =	smov.u32 s18  }
.LBB2_7:
0x93: {  	p1 =	sne.s32 s22, $0x1;
	v2 =	vld [tilespmem:s19+$0x0];
	s20 =	sadd.s32 $0x10, s20  }
0x94: {  	s0 =	sadd.s32 $0xFFFFFFF0, s0;
	v3 =	vld [tilespmem:s20+$0x0]  }
0x95: {  	v4 =	vmov s0  }
0x96: {  	vm0 =	vgt.s32 v4, v0  }
0x97: {  	v1 =	vnsel vm0, $0x0, v1;
	_ =	sdelay $0x4  }
0x98: {  	v4 =	vld.idx.msk [tilespmem:v1+s15+$0x0], $0xffff;
	_ =	sdelay $0x2  }
0x99: {  	v2 =	vnsel vm0, $0x0, v2  }
0x9a: {  	v5 =	vadd.s32 $0x80, v1;
	_ =	sdelay $0x1  }
0x9b: {  	v4 =	vmul.f32 v4, v3;
	_ =	sdelay $0x1  }
0x9c: {  	[tilespmem:v2+s16+$0x0] =	vst.idx.add.f32.msk vm0, v4  }
0x9d: {  	v4 =	vld.idx.msk [tilespmem:v5+s15+$0x0], $0xffff;
	_ =	sdelay $0x2  }
0x9e: {  	v5 =	vadd.s32 $0x800, v2  }
0x9f: {  	v6 =	vadd.s32 $0x100, v1;
	_ =	sdelay $0x1  }
0xa0: {  	v4 =	vmul.f32 v4, v3;
	_ =	sdelay $0x1  }
0xa1: {  	[tilespmem:v5+s16+$0x0] =	vst.idx.add.f32.msk vm0, v4  }
0xa2: {  	v4 =	vld.idx.msk [tilespmem:v6+s15+$0x0], $0xffff;
	_ =	sdelay $0x2  }
0xa3: {  	v5 =	vadd.s32 $0x1000, v2  }
0xa4: {  	v1 =	vadd.s32 $0x180, v1;
	_ =	sdelay $0x1  }
0xa5: {  	v4 =	vmul.f32 v4, v3;
	_ =	sdelay $0x1  }
0xa6: {  	[tilespmem:v5+s16+$0x0] =	vst.idx.add.f32.msk vm0, v4  }
0xa7: {  	v1 =	vld.idx.msk [tilespmem:v1+s15+$0x0], $0xffff;
	_ =	sdelay $0x2  }
0xa8: {  	v2 =	vadd.s32 $0x1800, v2;
	_ =	sdelay $0x1  }
.Ltmp4:
0xa9: {  	(pc) =	sbr.rel @p1 .LBB2_7-.Ltmp4, $3  }
0xaa: {  	v1 =	vmul.f32 v1, v3;
	_ =	sdelay $0x1  }
0xab: {  	s21 =	sadd.s32 $0x10, s21;
	[tilespmem:v2+s16+$0x0] =	vst.idx.add.f32.msk vm0, v1  }
0xac: {  	s22 =	sadd.s32 $0xFFFFFFFF, s22;
	s19 =	sadd.s32 $0x10, s19;
	v1 =	vld [tilespmem:s21+$0x0]  }
.LBB2_8:
0xad: {  	s0 =	sadd.s32 @p0 $0xFFFFFFF0, s0  }
0xae: {  	s18 =	smov.u32 @p0 s0  }
0xaf: {  	v2 =	vmov s18  }
0xb0: {  	vm0 =	vgt.s32 v2, v0  }
0xb1: {  	v0 =	vnsel vm0, $0x0, v1;
	_ =	sdelay $0x1  }
0xb2: {  	v60 =	vld [tilespmem:s19+$0x0];
	s0 =	sadd.s32 @p0 $0x10, s20  }
0xb3: {  	s17 =	smov.u32 @p0 s0  }
0xb4: {  	v61 =	vld [tilespmem:s17+$0x0]  }
0xb5: {  	v3 =	vld.idx.msk [tilespmem:v0+s15+$0x0], $0xffff;
	_ =	sdelay $0x1  }
0xb6: {  	v1 =	vnsel vm0, $0x0, v60  }
0xb7: {  	v4 =	vadd.s32 $0x80, v0;
	_ =	sdelay $0x1  }
0xb8: {  	v3 =	vmul.f32 v3, v61;
	_ =	sdelay $0x1  }
0xb9: {  	[tilespmem:v1+s16+$0x0] =	vst.idx.add.f32.msk vm0, v3  }
0xba: {  	v3 =	vld.idx.msk [tilespmem:v4+s15+$0x0], $0xffff;
	_ =	sdelay $0x1  }
0xbb: {  	v62 =	vadd.s32 $0x800, v1  }
0xbc: {  	v5 =	vadd.s32 $0x100, v0;
	_ =	sdelay $0x1  }
0xbd: {  	v3 =	vmul.f32 v3, v61;
	_ =	sdelay $0x1  }
0xbe: {  	[tilespmem:v62+s16+$0x0] =	vst.idx.add.f32.msk vm0, v3  }
0xbf: {  	v3 =	vld.idx.msk [tilespmem:v5+s15+$0x0], $0xffff;
	_ =	sdelay $0x1  }
0xc0: {  	v63 =	vadd.s32 $0x1000, v1  }
0xc1: {  	v0 =	vadd.s32 $0x180, v0;
	_ =	sdelay $0x1  }
0xc2: {  	v3 =	vmul.f32 v3, v61;
	_ =	sdelay $0x1  }
0xc3: {  	[tilespmem:v63+s16+$0x0] =	vst.idx.add.f32.msk vm0, v3  }
0xc4: {  	v0 =	vld.idx.msk [tilespmem:v0+s15+$0x0], $0xffff;
	_ =	sdelay $0x1  }
0xc5: {  	v1 =	vadd.s32 $0x1800, v1;
	_ =	sdelay $0x2  }
0xc6: {  	v0 =	vmul.f32 v0, v61;
	_ =	sdelay $0x1  }
0xc7: {  	[tilespmem:v1+s16+$0x0] =	vst.idx.add.f32.msk vm0, v0  }
.LBB2_9:
0xc8: {  	_ =	strace $0x9000004A;
	s0 =	simm.s32 $0x80;
	s15 =	simm.s32 $0x400  }
0xc9: {  	s16 =	simm.s32 $0x1100;
	s20 =	simm.s32 $0x2;
	_ =	strace $0x8000004B  }
0xca: {  	[spmem:s13] =	stream.strided.scatter [tilespmem:s16], [sflag:$0x2], $0x2000, s15, s0, $0x200038;
	[tilespmem:$0xC880] =	vst v63  }
0xcb: {  	_ =	swait.ge [sflag:s20], $0x2000  }
0xcc: {  	[sflag:s20] =	ssyncset.done $0x0  }
0xcd: {  	s21 =	simm.s32 $0x1000;
	[sflag:s20] =	ssyncadd.s32 $0xFFFFE000  }
0xce: {  	s22 =	simm.s32 $0x10000;
	s23 =	simm.s32 $0x5100;
	[bflag:$0x0] =	sbarrier.arrive $0xFFFF  }
0xcf: {  	[tilespmem:s23], [sflag:$0x2] =	stream.strided.gather [spmem:s12], $0x2000, s22, s21, $0x200038;
	[tilespmem:$0xC880] =	vst v63  }
0xd0: {  	_ =	swait.ge [sflag:s20], $0x2000  }
0xd1: {  	[sflag:s20] =	ssyncset.done $0x0  }
0xd2: {  	s24 =	simm.s32 $0x0;
	[sflag:s20] =	ssyncadd.s32 $0xFFFFE000  }
0xd3: {  	s25 =	sand.u32 $0x70, s24;
	s0 =	sand.u32 $0xC00, s24;
	_ =	strace $0x9000004B  }
0xd4: {  	s0 =	sor.u32 s25, s0;
	_ =	strace $0x8000004C  }
0xd5: {  	v0 =	vld [tilespmem:s0+$0x5180]  }
0xd6: {  	v1 =	vld [tilespmem:s0+$0x5100];
	_ =	sdelay $0x1  }
0xd7: {  	v2 =	vld [tilespmem:s0+$0x5200];
	_ =	sdelay $0x1  }
0xd8: {  	v3 =	vld [tilespmem:s0+$0x5280]  }
0xd9: {  	v0 =	vadd.f32 v0, v1  }
0xda: {  	v1 =	vld [tilespmem:s0+$0x5300]  }
0xdb: {  	v0 =	vadd.f32 v2, v0  }
0xdc: {  	v2 =	vld [tilespmem:s0+$0x5380]  }
0xdd: {  	v0 =	vadd.f32 v3, v0  }
0xde: {  	v3 =	vld [tilespmem:s0+$0x5400]  }
0xdf: {  	v0 =	vadd.f32 v1, v0  }
0xe0: {  	v1 =	vld [tilespmem:s0+$0x5480]  }
0xe1: {  	v0 =	vadd.f32 v2, v0  }
0xe2: {  	v2 =	vld [tilespmem:s0+$0x6100]  }
0xe3: {  	v0 =	vadd.f32 v3, v0  }
0xe4: {  	v3 =	vld [tilespmem:s0+$0x6180]  }
0xe5: {  	v0 =	vadd.f32 v1, v0  }
0xe6: {  	v1 =	vld [tilespmem:s0+$0x6200]  }
0xe7: {  	v0 =	vadd.f32 v2, v0  }
0xe8: {  	v2 =	vld [tilespmem:s0+$0x6280]  }
0xe9: {  	v0 =	vadd.f32 v3, v0  }
0xea: {  	v3 =	vld [tilespmem:s0+$0x6300]  }
0xeb: {  	v0 =	vadd.f32 v1, v0  }
0xec: {  	v1 =	vld [tilespmem:s0+$0x6380]  }
0xed: {  	v0 =	vadd.f32 v2, v0  }
0xee: {  	v2 =	vld [tilespmem:s0+$0x6400]  }
0xef: {  	v0 =	vadd.f32 v3, v0  }
0xf0: {  	v3 =	vld [tilespmem:s0+$0x6480]  }
0xf1: {  	s29 =	simm.s32 $0x7100;
	v0 =	vadd.f32 v1, v0  }
0xf2: {  	v1 =	vld [tilespmem:s29+$0x0]  }
0xf3: {  	v0 =	vadd.f32 v2, v0;
	_ =	sdelay $0x1  }
0xf4: {  	v0 =	vadd.f32 v3, v0;
	_ =	sdelay $0x1  }
0xf5: {  	v1 =	vadd.f32 v1, v0;
	_ =	sdelay $0x1  }
0xf6: {  	v0 =	vand.u32 $0x7FFFFFFF, v1  }
0xf7: {  	v0 =	vmul.f32 $-2.000000000e+00, v0;
	_ =	sdelay $0x1  }
0xf8: {  	v0 =	vmul.f32 $1.442695020e+00, v0;
	_ =	sdelay $0x1  }
0xf9: {  	(erf) = vpow2.f32 v0;
	_ =	sdelay $0x8  }
0xfa: {  	v2 =	vpop (erf)  }
0xfb: {  	v0 =	vadd.f32 $1.000000000e+00, v2;
	_ =	sdelay $0x1  }
0xfc: {  	(erf) = vrcp.f32 v0;
	_ =	sdelay $0x3  }
0xfd: {  	s28 =	sadd.s32 s10, s4;
	v3 =	vand.u32 $0x80000000, v1;
	vm0 =	vlt.f32 v1, $0.0e+00;
	v0 =	vimm.f32 $1.000000000e+00  }
0xfe: {  	s17 =	sor.u32 $0x7800, s14;
	s18 =	sor.u32 $0x7B00, s14;
	s19 =	sor.u32 $0x7C00, s14;
	vm1 =	vgt.f32 v1, $0.0e+00;
	v2 =	vsub.f32 $1.000000000e+00, v2;
	v0 =	vand.u32 $0x7FFFFFFF, v0  }
0xff: {  	s10 =	sor.u32 $0x8200, s14;
	s30 =	simm.s32 $0x80;
	s5 =	sadd.s32 s5, s26;
	vm0 =	vmor vm1, vm0;
	v3 =	vor.u32 v3, v0  }
0x100: {  	s26 =	simm.s32 $0x20;
	s31 =	sand.u32 $0xC00, s30;
	s24 =	sadd.s32 $0xF8, s9;
	v1 =	vsel vm0, v3, v1  }
0x101: {  	s15 =	sor.u32 $0x7500, s14;
	s16 =	sor.u32 $0x7D00, s14;
	s13 =	sor.u32 $0x7F00, s14;
	v1 =	vmul.f32 v2, v1  }
0x102: {  	s9 =	sor.u32 $0x8100, s14;
	s25 =	sadd.s32 s11, s3;
	s11 =	sor.u32 $0x8000, s14;
	v2 =	vpop (erf)  }
0x103: {  	s22 =	sor.u32 $0x7600, s14;
	s23 =	sor.u32 $0x7900, s14;
	s0 =	simm.s32 $0x10;
	v1 =	vmul.f32 v2, v1  }
0x104: {  	s21 =	sor.u32 $0x7A00, s14;
	s12 =	sor.u32 $0x7E00, s14;
	s0 =	sand.u32 $0x70, s0  }
0x105: {  	s20 =	sor.u32 $0x7700, s14;
	s14 =	sor.u32 $0x8300, s14;
	s31 =	sor.u32 s0, s31;
	[tilespmem:s29+$0x0] =	vst v1  }
.LBB2_10:
0x106: {  	p0 =	sne.s32 s26, $0x1F0;
	v1 =	vld [tilespmem:s31+$0x5180]  }
0x107: {  	v2 =	vld [tilespmem:s31+$0x5100];
	_ =	sdelay $0x1  }
0x108: {  	v3 =	vld [tilespmem:s31+$0x5200];
	_ =	sdelay $0x1  }
0x109: {  	v4 =	vld [tilespmem:s31+$0x5280]  }
0x10a: {  	v1 =	vadd.f32 v1, v2  }
0x10b: {  	v2 =	vld [tilespmem:s31+$0x5300]  }
0x10c: {  	v1 =	vadd.f32 v3, v1  }
0x10d: {  	v3 =	vld [tilespmem:s31+$0x5380]  }
0x10e: {  	v1 =	vadd.f32 v4, v1  }
0x10f: {  	v4 =	vld [tilespmem:s31+$0x5400]  }
0x110: {  	v1 =	vadd.f32 v2, v1  }
0x111: {  	v2 =	vld [tilespmem:s31+$0x5480]  }
0x112: {  	v1 =	vadd.f32 v3, v1  }
0x113: {  	v3 =	vld [tilespmem:s31+$0x6100]  }
0x114: {  	v1 =	vadd.f32 v4, v1  }
0x115: {  	v4 =	vld [tilespmem:s31+$0x6180]  }
0x116: {  	v1 =	vadd.f32 v2, v1  }
0x117: {  	v2 =	vld [tilespmem:s31+$0x6200]  }
0x118: {  	v1 =	vadd.f32 v3, v1  }
0x119: {  	v3 =	vld [tilespmem:s31+$0x6280]  }
0x11a: {  	v1 =	vadd.f32 v4, v1  }
0x11b: {  	v4 =	vld [tilespmem:s31+$0x6300]  }
0x11c: {  	v1 =	vadd.f32 v2, v1  }
0x11d: {  	v2 =	vld [tilespmem:s31+$0x6380]  }
0x11e: {  	v1 =	vadd.f32 v3, v1  }
0x11f: {  	v3 =	vld [tilespmem:s31+$0x6400]  }
0x120: {  	v1 =	vadd.f32 v4, v1  }
0x121: {  	v4 =	vld [tilespmem:s31+$0x6480]  }
0x122: {  	s29 =	sadd.s32 $0x10, s29;
	v1 =	vadd.f32 v2, v1  }
0x123: {  	v2 =	vld [tilespmem:s29+$0x0]  }
0x124: {  	v1 =	vadd.f32 v3, v1;
	_ =	sdelay $0x1  }
0x125: {  	v1 =	vadd.f32 v4, v1;
	_ =	sdelay $0x1  }
0x126: {  	v1 =	vadd.f32 v2, v1;
	_ =	sdelay $0x1  }
0x127: {  	v2 =	vand.u32 $0x7FFFFFFF, v1  }
0x128: {  	v2 =	vmul.f32 $-2.000000000e+00, v2;
	_ =	sdelay $0x1  }
0x129: {  	v2 =	vmul.f32 $1.442695020e+00, v2;
	_ =	sdelay $0x1  }
0x12a: {  	(erf) = vpow2.f32 v2;
	_ =	sdelay $0x8  }
0x12b: {  	v2 =	vpop (erf)  }
0x12c: {  	v3 =	vadd.f32 $1.000000000e+00, v2;
	_ =	sdelay $0x1  }
0x12d: {  	(erf) = vrcp.f32 v3;
	_ =	sdelay $0x4  }
0x12e: {  	vm0 =	vlt.f32 v1, $0.0e+00;
	vm1 =	vgt.f32 v1, $0.0e+00;
	v3 =	vand.u32 $0x80000000, v1  }
0x12f: {  	vm0 =	vmor vm1, vm0;
	v4 =	vsub.f32 $1.000000000e+00, v2;
	v3 =	vor.u32 v3, v0  }
0x130: {  	v1 =	vsel vm0, v3, v1  }
.Ltmp5:
0x131: {  	v1 =	vmul.f32 v4, v1;
	(pc) =	sbr.rel @p0 .LBB2_10-.Ltmp5, $4  }
0x132: {  	v2 =	vpop (erf)  }
0x133: {  	s30 =	sadd.s32 $0x80, s30;
	v1 =	vmul.f32 v2, v1  }
0x134: {  	s0 =	sand.u32 $0x70, s26;
	s31 =	sand.u32 $0xC00, s30  }
0x135: {  	s26 =	sadd.s32 $0x10, s26;
	s31 =	sor.u32 s0, s31;
	[tilespmem:s29+$0x0] =	vst v1  }
0x136: {  	v1 =	vld [tilespmem:s31+$0x5180]  }
0x137: {  	v2 =	vld [tilespmem:s31+$0x5100];
	_ =	sdelay $0x1  }
0x138: {  	v3 =	vld [tilespmem:s31+$0x5200];
	_ =	sdelay $0x1  }
0x139: {  	v4 =	vld [tilespmem:s31+$0x5280]  }
0x13a: {  	v1 =	vadd.f32 v1, v2  }
0x13b: {  	v48 =	vld [tilespmem:s31+$0x5300]  }
0x13c: {  	v1 =	vadd.f32 v3, v1  }
0x13d: {  	v49 =	vld [tilespmem:s31+$0x5380]  }
0x13e: {  	v1 =	vadd.f32 v4, v1  }
0x13f: {  	v50 =	vld [tilespmem:s31+$0x5400]  }
0x140: {  	v1 =	vadd.f32 v48, v1  }
0x141: {  	v51 =	vld [tilespmem:s31+$0x5480]  }
0x142: {  	v1 =	vadd.f32 v49, v1  }
0x143: {  	v52 =	vld [tilespmem:s31+$0x6100]  }
0x144: {  	v1 =	vadd.f32 v50, v1  }
0x145: {  	v53 =	vld [tilespmem:s31+$0x6180]  }
0x146: {  	v1 =	vadd.f32 v51, v1  }
0x147: {  	v54 =	vld [tilespmem:s31+$0x6200]  }
0x148: {  	v1 =	vadd.f32 v52, v1  }
0x149: {  	v55 =	vld [tilespmem:s31+$0x6280]  }
0x14a: {  	v1 =	vadd.f32 v53, v1  }
0x14b: {  	v56 =	vld [tilespmem:s31+$0x6300]  }
0x14c: {  	v1 =	vadd.f32 v54, v1  }
0x14d: {  	v57 =	vld [tilespmem:s31+$0x6380]  }
0x14e: {  	v1 =	vadd.f32 v55, v1  }
0x14f: {  	v58 =	vld [tilespmem:s31+$0x6400]  }
0x150: {  	v1 =	vadd.f32 v56, v1  }
0x151: {  	v59 =	vld [tilespmem:s31+$0x6480]  }
0x152: {  	s0 =	sadd.s32 $0x10, s29;
	v1 =	vadd.f32 v57, v1  }
0x153: {  	v60 =	vld [tilespmem:s0+$0x0]  }
0x154: {  	v1 =	vadd.f32 v58, v1;
	_ =	sdelay $0x1  }
0x155: {  	v1 =	vadd.f32 v59, v1;
	_ =	sdelay $0x1  }
0x156: {  	v1 =	vadd.f32 v60, v1;
	_ =	sdelay $0x1  }
0x157: {  	v2 =	vand.u32 $0x7FFFFFFF, v1  }
0x158: {  	v2 =	vmul.f32 $-2.000000000e+00, v2;
	_ =	sdelay $0x1  }
0x159: {  	v2 =	vmul.f32 $1.442695020e+00, v2;
	_ =	sdelay $0x1  }
0x15a: {  	(erf) = vpow2.f32 v2;
	_ =	sdelay $0x8  }
0x15b: {  	v2 =	vpop (erf)  }
0x15c: {  	v61 =	vadd.f32 $1.000000000e+00, v2;
	_ =	sdelay $0x1  }
0x15d: {  	(erf) = vrcp.f32 v61;
	_ =	sdelay $0x4  }
0x15e: {  	v62 =	vand.u32 $0x80000000, v1;
	vm0 =	vlt.f32 v1, $0.0e+00;
	vm1 =	vgt.f32 v1, $0.0e+00  }
0x15f: {  	v0 =	vor.u32 v62, v0;
	vm0 =	vmor vm1, vm0;
	v2 =	vsub.f32 $1.000000000e+00, v2  }
0x160: {  	v0 =	vsel vm0, v0, v1  }
0x161: {  	v0 =	vmul.f32 v2, v0  }
0x162: {  	v63 =	vpop (erf)  }
0x163: {  	v0 =	vmul.f32 v63, v0;
	_ =	sdelay $0x1  }
0x164: {  	[tilespmem:s0+$0x0] =	vst v0  }
0x165: {  	_ =	strace $0x9000004C  }
0x166: {  	s26 =	simm.s32 $0x7100;
	_ =	strace $0x8000004D  }
0x167: {  	[spmem:s28] =	stream.linear.scatter [tilespmem:s26], [sflag:$0x2], $0x200, $0x200038;
	[tilespmem:$0xC880] =	vst v63  }
0x168: {  	s29 =	sadd.s32 $0xF, s8;
	s26 =	simm.s32 $0x2  }
0x169: {  	s30 =	sand.u32 $0xF, s29;
	_ =	swait.ge [sflag:s26], $0x200  }
0x16a: {  	s8 =	sshra.s32 s29, $0x1F;
	p0 =	slt.s32 s29, $0x1;
	[sflag:s26] =	ssyncset.done $0x0  }
0x16b: {  	p1 =	sne.s32 s30, $0x0;
	s31 =	sshrl.u32 s8, $0x1C;
	[sflag:s26] =	ssyncadd.s32 $0xFFFFFE00  }
0x16c: {  	p0 =	por !p0, !p1;
	s28 =	simm.s32 $0x3100;
	[bflag:$0x0] =	sbarrier.arrive $0xFFFF  }
0x16d: {  	[tilespmem:s28], [sflag:$0x2] =	stream.linear.gather [spmem:s4], $0x2000, $0x200038;
	[tilespmem:$0xC880] =	vst v63  }
0x16e: {  	p0 =	por !p0, !p0;
	s0 =	sadd.s32 s31, s29;
	s4 =	simm.s32 $0x1  }
0x16f: {  	s0 =	sshra.s32 s0, $0x4;
	s4 =	simm.s32 @!p0 $0x0  }
0x170: {  	s0 =	ssub.s32 s0, s4  }
0x171: {  	p0 =	slt.s32 s0, $0x1  }
.Ltmp6:
0x172: {  	_ =	swait.ge [sflag:s26], $0x2000;
	(pc) =	sbr.rel @p0 .LBB2_18-.Ltmp6, $4  }
0x173: {  	[sflag:s26] =	ssyncset.done $0x0  }
0x174: {  	[sflag:s26] =	ssyncadd.s32 $0xFFFFE000  }
0x175: {  	_ =	strace $0x9000004D  }
0x176: {  	_ =	strace $0x8000004E  }
0x177: {  	p1 =	sne.s32 s0, $0x1  }
.Ltmp7:
0x178: {  	_ = 	snop;
	(pc) =	sbr.rel @!p1 .LBB2_13-.Ltmp7, $4  }
0x179: {  	_ = 	snop  }
0x17a: {  	s4 =	sadd.s32 s6, s7;
	s29 =	simm.s32 $0x9500  }
0x17b: {  	s8 =	simm.s32 $0x9A80;
	s6 =	simm.s32 $0xA000;
	s0 =	sadd.s32 $0xFFFFFFFF, s0  }
0x17c: {  	v0 =	vlaneseq.u32;
	p0 =	por $0x0, $0x0;
	s7 =	sadd.s32 $0x80000000, s4;
	s4 =	simm.s32 $0x7300;
	v1 =	vld [tilespmem:s29+$0x0]  }
0x17d: {  	_ =	sdelay $0x1  }
0x17e: {  	v2 =	vmov s7  }
0x17f: {  	vm0 =	vgt.s32 v2, v0  }
0x180: {  	v1 =	vnsel vm0, $0x0, v1  }
0x181: {  	v2 =	vld [tilespmem:s8+$0x0];
	_ =	sdelay $0x2  }
0x182: {  	v3 =	vld [tilespmem:s6+$0x0]  }
0x183: {  	v4 =	vld.idx.msk [tilespmem:v1+s28+$0x0], $0xffff  }
0x184: {  	v2 =	vadd.s32 $0xFFFFF840, v2  }
0x185: {  	v2 =	vnsel vm0, $0x0, v2  }
0x186: {  	v5 =	vadd.s32 $0x800, v1;
	_ =	sdelay $0x1  }
0x187: {  	v4 =	vmul.f32 v4, v3;
	_ =	sdelay $0x1  }
0x188: {  	[tilespmem:v2+s4+$0x0] =	vst.idx.add.f32.msk vm0, v4  }
0x189: {  	v4 =	vld.idx.msk [tilespmem:v5+s28+$0x0], $0xffff;
	_ =	sdelay $0x1  }
0x18a: {  	v62 =	vadd.s32 $0x40, v2  }
0x18b: {  	v6 =	vadd.s32 $0x1000, v1;
	_ =	sdelay $0x1  }
0x18c: {  	v4 =	vmul.f32 v4, v3;
	_ =	sdelay $0x1  }
0x18d: {  	[tilespmem:v62+s4+$0x0] =	vst.idx.add.f32.msk vm0, v4  }
0x18e: {  	v4 =	vld.idx.msk [tilespmem:v6+s28+$0x0], $0xffff;
	_ =	sdelay $0x1  }
0x18f: {  	v63 =	vadd.s32 $0x80, v2  }
0x190: {  	v1 =	vadd.s32 $0x1800, v1;
	_ =	sdelay $0x1  }
0x191: {  	v4 =	vmul.f32 v4, v3;
	_ =	sdelay $0x1  }
0x192: {  	[tilespmem:v63+s4+$0x0] =	vst.idx.add.f32.msk vm0, v4  }
0x193: {  	v1 =	vld.idx.msk [tilespmem:v1+s28+$0x0], $0xffff;
	_ =	sdelay $0x1  }
0x194: {  	v2 =	vadd.s32 $0xC0, v2  }
0x195: {  	p1 =	sne.s32 s0, $0x1  }
.Ltmp8:
0x196: {  	_ = 	snop;
	(pc) =	sbr.rel @!p1 .LBB2_22-.Ltmp8, $3  }
0x197: {  	v1 =	vmul.f32 v1, v3;
	_ =	sdelay $0x1  }
0x198: {  	s30 =	simm.s32 $0x9510;
	s0 =	sadd.s32 $0xFFFFFFFF, s0;
	[tilespmem:v2+s4+$0x0] =	vst.idx.add.f32.msk vm0, v1  }
0x199: {  	p0 =	por $0x1, $0x1;
	s29 =	simm.s32 $0xA000;
	s8 =	simm.s32 $0x9A90;
	v1 =	vld [tilespmem:s30+$0x0]  }
0x19a: {  	s31 =	smov.u32 s7  }
.LBB2_16:
0x19b: {  	p1 =	sne.s32 s0, $0x1;
	v2 =	vld [tilespmem:s8+$0x0];
	s29 =	sadd.s32 $0x10, s29  }
0x19c: {  	s31 =	sadd.s32 $0xFFFFFFF0, s31;
	v3 =	vld [tilespmem:s29+$0x0]  }
0x19d: {  	v4 =	vmov s31  }
0x19e: {  	vm0 =	vgt.s32 v4, v0  }
0x19f: {  	v1 =	vnsel vm0, $0x0, v1;
	_ =	sdelay $0x4  }
0x1a0: {  	v4 =	vld.idx.msk [tilespmem:v1+s28+$0x0], $0xffff;
	_ =	sdelay $0x1  }
0x1a1: {  	v2 =	vadd.s32 $0xFFFFF840, v2  }
0x1a2: {  	v2 =	vnsel vm0, $0x0, v2  }
0x1a3: {  	v5 =	vadd.s32 $0x800, v1;
	_ =	sdelay $0x1  }
0x1a4: {  	v4 =	vmul.f32 v4, v3;
	_ =	sdelay $0x1  }
0x1a5: {  	[tilespmem:v2+s4+$0x0] =	vst.idx.add.f32.msk vm0, v4  }
0x1a6: {  	v4 =	vld.idx.msk [tilespmem:v5+s28+$0x0], $0xffff;
	_ =	sdelay $0x2  }
0x1a7: {  	v5 =	vadd.s32 $0x40, v2  }
0x1a8: {  	v6 =	vadd.s32 $0x1000, v1;
	_ =	sdelay $0x1  }
0x1a9: {  	v4 =	vmul.f32 v4, v3;
	_ =	sdelay $0x1  }
0x1aa: {  	[tilespmem:v5+s4+$0x0] =	vst.idx.add.f32.msk vm0, v4  }
0x1ab: {  	v4 =	vld.idx.msk [tilespmem:v6+s28+$0x0], $0xffff;
	_ =	sdelay $0x2  }
0x1ac: {  	v5 =	vadd.s32 $0x80, v2  }
0x1ad: {  	v1 =	vadd.s32 $0x1800, v1;
	_ =	sdelay $0x1  }
0x1ae: {  	v4 =	vmul.f32 v4, v3;
	_ =	sdelay $0x1  }
0x1af: {  	[tilespmem:v5+s4+$0x0] =	vst.idx.add.f32.msk vm0, v4  }
0x1b0: {  	v1 =	vld.idx.msk [tilespmem:v1+s28+$0x0], $0xffff;
	_ =	sdelay $0x2  }
0x1b1: {  	v2 =	vadd.s32 $0xC0, v2;
	_ =	sdelay $0x1  }
.Ltmp9:
0x1b2: {  	(pc) =	sbr.rel @p1 .LBB2_16-.Ltmp9, $3  }
0x1b3: {  	v1 =	vmul.f32 v1, v3;
	_ =	sdelay $0x1  }
0x1b4: {  	s30 =	sadd.s32 $0x10, s30;
	[tilespmem:v2+s4+$0x0] =	vst.idx.add.f32.msk vm0, v1  }
0x1b5: {  	s0 =	sadd.s32 $0xFFFFFFFF, s0;
	s8 =	sadd.s32 $0x10, s8;
	v1 =	vld [tilespmem:s30+$0x0]  }
.LBB2_17:
0x1b6: {  	s0 =	sadd.s32 @p0 $0xFFFFFFF0, s31  }
0x1b7: {  	s7 =	smov.u32 @p0 s0  }
0x1b8: {  	v2 =	vmov s7  }
0x1b9: {  	vm0 =	vgt.s32 v2, v0  }
0x1ba: {  	v0 =	vnsel vm0, $0x0, v1  }
0x1bb: {  	v60 =	vld [tilespmem:s8+$0x0]  }
0x1bc: {  	s0 =	sadd.s32 @p0 $0x10, s29  }
0x1bd: {  	s6 =	smov.u32 @p0 s0  }
0x1be: {  	v61 =	vld [tilespmem:s6+$0x0]  }
0x1bf: {  	v3 =	vld.idx.msk [tilespmem:v0+s28+$0x0], $0xffff  }
0x1c0: {  	v1 =	vadd.s32 $0xFFFFF840, v60  }
0x1c1: {  	v1 =	vnsel vm0, $0x0, v1  }
0x1c2: {  	v4 =	vadd.s32 $0x800, v0;
	_ =	sdelay $0x1  }
0x1c3: {  	v3 =	vmul.f32 v3, v61;
	_ =	sdelay $0x1  }
0x1c4: {  	[tilespmem:v1+s4+$0x0] =	vst.idx.add.f32.msk vm0, v3  }
0x1c5: {  	v3 =	vld.idx.msk [tilespmem:v4+s28+$0x0], $0xffff;
	_ =	sdelay $0x1  }
0x1c6: {  	v62 =	vadd.s32 $0x40, v1  }
0x1c7: {  	v5 =	vadd.s32 $0x1000, v0;
	_ =	sdelay $0x1  }
0x1c8: {  	v3 =	vmul.f32 v3, v61;
	_ =	sdelay $0x1  }
0x1c9: {  	[tilespmem:v62+s4+$0x0] =	vst.idx.add.f32.msk vm0, v3  }
0x1ca: {  	v3 =	vld.idx.msk [tilespmem:v5+s28+$0x0], $0xffff;
	_ =	sdelay $0x1  }
0x1cb: {  	v63 =	vadd.s32 $0x80, v1  }
0x1cc: {  	v0 =	vadd.s32 $0x1800, v0;
	_ =	sdelay $0x1  }
0x1cd: {  	v3 =	vmul.f32 v3, v61;
	_ =	sdelay $0x1  }
0x1ce: {  	[tilespmem:v63+s4+$0x0] =	vst.idx.add.f32.msk vm0, v3  }
0x1cf: {  	v0 =	vld.idx.msk [tilespmem:v0+s28+$0x0], $0xffff;
	_ =	sdelay $0x1  }
0x1d0: {  	v1 =	vadd.s32 $0xC0, v1;
	_ =	sdelay $0x2  }
0x1d1: {  	v0 =	vmul.f32 v0, v61;
	_ =	sdelay $0x1  }
0x1d2: {  	[tilespmem:v1+s4+$0x0] =	vst.idx.add.f32.msk vm0, v0  }
.LBB2_18:
0x1d3: {  	_ =	strace $0x9000004E;
	s0 =	simm.s32 $0x7300;
	p0 =	sgt.u32 s1, $0x3  }
0x1d4: {  	[spmem:s25] =	stream.linear.scatter [tilespmem:s0], [sflag:$0x2], $0x100, $0x38;
	[tilespmem:$0xC880] =	vst v63  }
.Ltmp10:
0x1d5: {  	_ =	swait.ge [sflag:s26], $0x100;
	(pc) =	sbr.rel @p0 .LBB2_20-.Ltmp10, $3  }
0x1d6: {  	[sflag:s26] =	ssyncset.done $0x0  }
0x1d7: {  	[sflag:s26] =	ssyncadd.s32 $0xFFFFFF00  }
0x1d8: {  	[bflag:$0x0] =	sbarrier.arrive $0xFFFF;
	_ =	sdelay $0x1  }
0x1d9: {  	s0 =	simm.s32 $0x7400;
	s31 =	simm.s32 $0x2  }
0x1da: {  	[tilespmem:s0], [sflag:$0x2] =	stream.linear.gather [spmem:s3], $0x1000, $0x38;
	[tilespmem:$0xC880] =	vst v63  }
0x1db: {  	_ =	swait.ge [sflag:s31], $0x1000  }
0x1dc: {  	[sflag:s31] =	ssyncset.done $0x0  }
0x1dd: {  	s4 =	simm.s32 $0x0;
	s6 =	simm.s32 $0x8400;
	[sflag:s31] =	ssyncadd.s32 $0xFFFFF000  }
0x1de: {  	[tilespmem:s6], [sflag:$0x2] =	stream.linear.gather [hbm4b:s24+s4], $0x40, $0x38;
	[tilespmem:$0xC880] =	vst v63  }
0x1df: {  	_ =	swait.ge [sflag:s31], $0x40  }
0x1e0: {  	[sflag:s31] =	ssyncset.done $0x0  }
0x1e1: {  	[sflag:s31] =	ssyncadd.s32 $0xFFFFFFC0  }
0x1e2: {  	v0 =	vld [tilespmem:$0x8400]  }
0x1e3: {  	v1 =	vld [tilespmem:s2+$0x7400];
	_ =	sdelay $0x1  }
0x1e4: {  	v2 =	vld [tilespmem:s15+$0x0];
	_ =	sdelay $0x1  }
0x1e5: {  	v3 =	vld [tilespmem:s22+$0x0]  }
0x1e6: {  	v0 =	vadd.f32 v1, v0  }
0x1e7: {  	v43 =	vld [tilespmem:s20+$0x0]  }
0x1e8: {  	v0 =	vadd.f32 v2, v0  }
0x1e9: {  	v44 =	vld [tilespmem:s17+$0x0]  }
0x1ea: {  	v0 =	vadd.f32 v3, v0  }
0x1eb: {  	v45 =	vld [tilespmem:s23+$0x0]  }
0x1ec: {  	v0 =	vadd.f32 v43, v0  }
0x1ed: {  	v46 =	vld [tilespmem:s21+$0x0]  }
0x1ee: {  	v0 =	vadd.f32 v44, v0  }
0x1ef: {  	v47 =	vld [tilespmem:s18+$0x0]  }
0x1f0: {  	v0 =	vadd.f32 v45, v0  }
0x1f1: {  	v48 =	vld [tilespmem:s19+$0x0]  }
0x1f2: {  	v0 =	vadd.f32 v46, v0  }
0x1f3: {  	v49 =	vld [tilespmem:s16+$0x0]  }
0x1f4: {  	v0 =	vadd.f32 v47, v0  }
0x1f5: {  	v50 =	vld [tilespmem:s12+$0x0]  }
0x1f6: {  	v0 =	vadd.f32 v48, v0  }
0x1f7: {  	v51 =	vld [tilespmem:s13+$0x0]  }
0x1f8: {  	v0 =	vadd.f32 v49, v0  }
0x1f9: {  	v52 =	vld [tilespmem:s11+$0x0]  }
0x1fa: {  	v0 =	vadd.f32 v50, v0  }
0x1fb: {  	v53 =	vld [tilespmem:s9+$0x0]  }
0x1fc: {  	v0 =	vadd.f32 v51, v0  }
0x1fd: {  	v54 =	vld [tilespmem:s10+$0x0]  }
0x1fe: {  	v0 =	vadd.f32 v52, v0  }
0x1ff: {  	v55 =	vld [tilespmem:s14+$0x0]  }
0x200: {  	v0 =	vadd.f32 v53, v0;
	_ =	sdelay $0x1  }
0x201: {  	v0 =	vadd.f32 v54, v0;
	_ =	sdelay $0x1  }
0x202: {  	v1 =	vadd.f32 v55, v0;
	_ =	sdelay $0x1  }
0x203: {  	v0 =	vand.u32 $0x7FFFFFFF, v1  }
0x204: {  	v0 =	vmul.f32 $-2.000000000e+00, v0;
	_ =	sdelay $0x1  }
0x205: {  	v0 =	vmul.f32 $1.442695020e+00, v0;
	_ =	sdelay $0x1  }
0x206: {  	(erf) = vpow2.f32 v0;
	_ =	sdelay $0x8  }
0x207: {  	v56 =	vpop (erf)  }
0x208: {  	v57 =	vadd.f32 $1.000000000e+00, v56;
	_ =	sdelay $0x1  }
0x209: {  	(erf) = vrcp.f32 v57;
	_ =	sdelay $0x3  }
0x20a: {  	v59 =	vimm.f32 $1.000000000e+00;
	v58 =	vand.u32 $0x80000000, v1  }
0x20b: {  	vm0 =	vlt.f32 v1, $0.0e+00;
	vm1 =	vgt.f32 v1, $0.0e+00;
	v0 =	vand.u32 $0x7FFFFFFF, v59  }
0x20c: {  	vm0 =	vmor vm1, vm0;
	v3 =	vor.u32 v58, v0;
	v2 =	vsub.f32 $1.000000000e+00, v56  }
0x20d: {  	v1 =	vsel vm0, v3, v1  }
0x20e: {  	v1 =	vmul.f32 v2, v1  }
0x20f: {  	v60 =	vpop (erf)  }
0x210: {  	v1 =	vmul.f32 v60, v1;
	_ =	sdelay $0x1  }
0x211: {  	v61 =	vld [tilespmem:$0x8410];
	[tilespmem:$0x8400] =	vst v1  }
0x212: {  	v62 =	vld [tilespmem:s2+$0x7410];
	_ =	sdelay $0x1  }
0x213: {  	v63 =	vld [tilespmem:s2+$0x7510];
	_ =	sdelay $0x1  }
0x214: {  	v4 =	vld [tilespmem:s2+$0x7610]  }
0x215: {  	v1 =	vadd.f32 v62, v61  }
0x216: {  	v8 =	vld [tilespmem:s2+$0x7710]  }
0x217: {  	v1 =	vadd.f32 v63, v1  }
0x218: {  	v9 =	vld [tilespmem:s2+$0x7810]  }
0x219: {  	v1 =	vadd.f32 v4, v1  }
0x21a: {  	v10 =	vld [tilespmem:s2+$0x7910]  }
0x21b: {  	v1 =	vadd.f32 v8, v1  }
0x21c: {  	v11 =	vld [tilespmem:s2+$0x7A10]  }
0x21d: {  	v1 =	vadd.f32 v9, v1  }
0x21e: {  	v12 =	vld [tilespmem:s2+$0x7B10]  }
0x21f: {  	v1 =	vadd.f32 v10, v1  }
0x220: {  	v13 =	vld [tilespmem:s2+$0x7C10]  }
0x221: {  	v1 =	vadd.f32 v11, v1  }
0x222: {  	v14 =	vld [tilespmem:s2+$0x7D10]  }
0x223: {  	v1 =	vadd.f32 v12, v1  }
0x224: {  	v15 =	vld [tilespmem:s2+$0x7E10]  }
0x225: {  	v1 =	vadd.f32 v13, v1  }
0x226: {  	v16 =	vld [tilespmem:s2+$0x7F10]  }
0x227: {  	v1 =	vadd.f32 v14, v1  }
0x228: {  	v17 =	vld [tilespmem:s2+$0x8010]  }
0x229: {  	v1 =	vadd.f32 v15, v1  }
0x22a: {  	v18 =	vld [tilespmem:s2+$0x8110]  }
0x22b: {  	v1 =	vadd.f32 v16, v1  }
0x22c: {  	v19 =	vld [tilespmem:s2+$0x8210]  }
0x22d: {  	v1 =	vadd.f32 v17, v1  }
0x22e: {  	v20 =	vld [tilespmem:s2+$0x8310]  }
0x22f: {  	v1 =	vadd.f32 v18, v1;
	_ =	sdelay $0x1  }
0x230: {  	v1 =	vadd.f32 v19, v1;
	_ =	sdelay $0x1  }
0x231: {  	v1 =	vadd.f32 v20, v1;
	_ =	sdelay $0x1  }
0x232: {  	v2 =	vand.u32 $0x7FFFFFFF, v1  }
0x233: {  	v2 =	vmul.f32 $-2.000000000e+00, v2;
	_ =	sdelay $0x1  }
0x234: {  	v2 =	vmul.f32 $1.442695020e+00, v2;
	_ =	sdelay $0x1  }
0x235: {  	(erf) = vpow2.f32 v2;
	_ =	sdelay $0x8  }
0x236: {  	v2 =	vpop (erf)  }
0x237: {  	v21 =	vadd.f32 $1.000000000e+00, v2;
	_ =	sdelay $0x1  }
0x238: {  	(erf) = vrcp.f32 v21;
	_ =	sdelay $0x4  }
0x239: {  	v22 =	vand.u32 $0x80000000, v1;
	vm10 =	vlt.f32 v1, $0.0e+00;
	vm11 =	vgt.f32 v1, $0.0e+00  }
0x23a: {  	v3 =	vor.u32 v22, v0;
	vm0 =	vmor vm11, vm10;
	v2 =	vsub.f32 $1.000000000e+00, v2  }
0x23b: {  	v1 =	vsel vm0, v3, v1  }
0x23c: {  	v1 =	vmul.f32 v2, v1  }
0x23d: {  	v23 =	vpop (erf)  }
0x23e: {  	v1 =	vmul.f32 v23, v1;
	_ =	sdelay $0x1  }
0x23f: {  	v24 =	vld [tilespmem:$0x8420];
	[tilespmem:$0x8410] =	vst v1  }
0x240: {  	v25 =	vld [tilespmem:s2+$0x7420];
	_ =	sdelay $0x1  }
0x241: {  	v26 =	vld [tilespmem:s2+$0x7520];
	_ =	sdelay $0x1  }
0x242: {  	v27 =	vld [tilespmem:s2+$0x7620]  }
0x243: {  	v1 =	vadd.f32 v25, v24  }
0x244: {  	v28 =	vld [tilespmem:s2+$0x7720]  }
0x245: {  	v1 =	vadd.f32 v26, v1  }
0x246: {  	v29 =	vld [tilespmem:s2+$0x7820]  }
0x247: {  	v1 =	vadd.f32 v27, v1  }
0x248: {  	v30 =	vld [tilespmem:s2+$0x7920]  }
0x249: {  	v1 =	vadd.f32 v28, v1  }
0x24a: {  	v31 =	vld [tilespmem:s2+$0x7A20]  }
0x24b: {  	v1 =	vadd.f32 v29, v1  }
0x24c: {  	v32 =	vld [tilespmem:s2+$0x7B20]  }
0x24d: {  	v1 =	vadd.f32 v30, v1  }
0x24e: {  	v33 =	vld [tilespmem:s2+$0x7C20]  }
0x24f: {  	v1 =	vadd.f32 v31, v1  }
0x250: {  	v34 =	vld [tilespmem:s2+$0x7D20]  }
0x251: {  	v1 =	vadd.f32 v32, v1  }
0x252: {  	v35 =	vld [tilespmem:s2+$0x7E20]  }
0x253: {  	v1 =	vadd.f32 v33, v1  }
0x254: {  	v36 =	vld [tilespmem:s2+$0x7F20]  }
0x255: {  	v1 =	vadd.f32 v34, v1  }
0x256: {  	v37 =	vld [tilespmem:s2+$0x8020]  }
0x257: {  	v1 =	vadd.f32 v35, v1  }
0x258: {  	v38 =	vld [tilespmem:s2+$0x8120]  }
0x259: {  	v1 =	vadd.f32 v36, v1  }
0x25a: {  	v39 =	vld [tilespmem:s2+$0x8220]  }
0x25b: {  	v1 =	vadd.f32 v37, v1  }
0x25c: {  	v40 =	vld [tilespmem:s2+$0x8320]  }
0x25d: {  	v1 =	vadd.f32 v38, v1;
	_ =	sdelay $0x1  }
0x25e: {  	v1 =	vadd.f32 v39, v1;
	_ =	sdelay $0x1  }
0x25f: {  	v1 =	vadd.f32 v40, v1;
	_ =	sdelay $0x1  }
0x260: {  	v2 =	vand.u32 $0x7FFFFFFF, v1  }
0x261: {  	v2 =	vmul.f32 $-2.000000000e+00, v2;
	_ =	sdelay $0x1  }
0x262: {  	v2 =	vmul.f32 $1.442695020e+00, v2;
	_ =	sdelay $0x1  }
0x263: {  	(erf) = vpow2.f32 v2;
	_ =	sdelay $0x8  }
0x264: {  	v2 =	vpop (erf)  }
0x265: {  	v41 =	vadd.f32 $1.000000000e+00, v2;
	_ =	sdelay $0x1  }
0x266: {  	(erf) = vrcp.f32 v41;
	_ =	sdelay $0x4  }
0x267: {  	v42 =	vand.u32 $0x80000000, v1;
	vm12 =	vlt.f32 v1, $0.0e+00;
	vm13 =	vgt.f32 v1, $0.0e+00  }
0x268: {  	v3 =	vor.u32 v42, v0;
	vm0 =	vmor vm13, vm12;
	v2 =	vsub.f32 $1.000000000e+00, v2  }
0x269: {  	v1 =	vsel vm0, v3, v1  }
0x26a: {  	v1 =	vmul.f32 v2, v1  }
0x26b: {  	v43 =	vpop (erf)  }
0x26c: {  	v1 =	vmul.f32 v43, v1;
	_ =	sdelay $0x1  }
0x26d: {  	v44 =	vld [tilespmem:$0x8430];
	[tilespmem:$0x8420] =	vst v1  }
0x26e: {  	v45 =	vld [tilespmem:s2+$0x7430];
	_ =	sdelay $0x1  }
0x26f: {  	v46 =	vld [tilespmem:s2+$0x7530];
	_ =	sdelay $0x1  }
0x270: {  	v47 =	vld [tilespmem:s2+$0x7630]  }
0x271: {  	v1 =	vadd.f32 v45, v44  }
0x272: {  	v48 =	vld [tilespmem:s2+$0x7730]  }
0x273: {  	v1 =	vadd.f32 v46, v1  }
0x274: {  	v49 =	vld [tilespmem:s2+$0x7830]  }
0x275: {  	v1 =	vadd.f32 v47, v1  }
0x276: {  	v50 =	vld [tilespmem:s2+$0x7930]  }
0x277: {  	v1 =	vadd.f32 v48, v1  }
0x278: {  	v51 =	vld [tilespmem:s2+$0x7A30]  }
0x279: {  	v1 =	vadd.f32 v49, v1  }
0x27a: {  	v52 =	vld [tilespmem:s2+$0x7B30]  }
0x27b: {  	v1 =	vadd.f32 v50, v1  }
0x27c: {  	v53 =	vld [tilespmem:s2+$0x7C30]  }
0x27d: {  	v1 =	vadd.f32 v51, v1  }
0x27e: {  	v54 =	vld [tilespmem:s2+$0x7D30]  }
0x27f: {  	v1 =	vadd.f32 v52, v1  }
0x280: {  	v55 =	vld [tilespmem:s2+$0x7E30]  }
0x281: {  	v1 =	vadd.f32 v53, v1  }
0x282: {  	v56 =	vld [tilespmem:s2+$0x7F30]  }
0x283: {  	v1 =	vadd.f32 v54, v1  }
0x284: {  	v57 =	vld [tilespmem:s2+$0x8030]  }
0x285: {  	v1 =	vadd.f32 v55, v1  }
0x286: {  	v58 =	vld [tilespmem:s2+$0x8130]  }
0x287: {  	v1 =	vadd.f32 v56, v1  }
0x288: {  	v59 =	vld [tilespmem:s2+$0x8230]  }
0x289: {  	v1 =	vadd.f32 v57, v1  }
0x28a: {  	v60 =	vld [tilespmem:s2+$0x8330]  }
0x28b: {  	v1 =	vadd.f32 v58, v1;
	_ =	sdelay $0x1  }
0x28c: {  	v1 =	vadd.f32 v59, v1;
	_ =	sdelay $0x1  }
0x28d: {  	v1 =	vadd.f32 v60, v1;
	_ =	sdelay $0x1  }
0x28e: {  	v2 =	vand.u32 $0x7FFFFFFF, v1  }
0x28f: {  	v2 =	vmul.f32 $-2.000000000e+00, v2;
	_ =	sdelay $0x1  }
0x290: {  	v2 =	vmul.f32 $1.442695020e+00, v2;
	_ =	sdelay $0x1  }
0x291: {  	(erf) = vpow2.f32 v2;
	_ =	sdelay $0x8  }
0x292: {  	v2 =	vpop (erf)  }
0x293: {  	v61 =	vadd.f32 $1.000000000e+00, v2;
	_ =	sdelay $0x1  }
0x294: {  	(erf) = vrcp.f32 v61;
	_ =	sdelay $0x4  }
0x295: {  	v62 =	vand.u32 $0x80000000, v1;
	vm14 =	vlt.f32 v1, $0.0e+00;
	vm15 =	vgt.f32 v1, $0.0e+00  }
0x296: {  	v0 =	vor.u32 v62, v0;
	vm0 =	vmor vm15, vm14;
	v2 =	vsub.f32 $1.000000000e+00, v2  }
0x297: {  	v0 =	vsel vm0, v0, v1  }
0x298: {  	v0 =	vmul.f32 v2, v0  }
0x299: {  	v63 =	vpop (erf)  }
0x29a: {  	v0 =	vmul.f32 v63, v0;
	_ =	sdelay $0x1  }
0x29b: {  	[tilespmem:$0x8430] =	vst v0  }
0x29c: {  	[hbm4b:s5+s4] =	stream.linear.scatter [tilespmem:s6], [sflag:$0x2], $0x80, $0x38;
	[tilespmem:$0xC880] =	vst v63  }
0x29d: {  	_ =	swait.ge [sflag:s31], $0x80  }
0x29e: {  	[sflag:s31] =	ssyncset.done $0x0  }
0x29f: {  	[sflag:s31] =	ssyncadd.s32 $0xFFFFFF80  }
.LBB2_20:
0x2a0: {  	_ =	sfence.sel $0x180000  }
0x2a1: {  	[bflag:$0x0] =	sbarrier.arrive $0xFFFF  }
0x2a2: {  	_ =	strace $0x90000047  }
0x2a3: {  	[bflag:$0x2] =	sbarrier.arrive $0xFFFF  }
0x2a4: {  	p0 =	sne.s32 s1, $0x0;
	s0 =	rddreg [dreg:$0x9]  }
0x2a5: {  	s0 =	sadd.s32 @!p0 $0x100000, s0  }
0x2a6: {  	[sflag:s0] =	ssyncadd.tile.s32 @!p0 $0x1;
	_ =	shalt  }
.LBB2_4:
.Ltmp11:
0x2a7: {  	(pc) =	sbr.rel .LBB2_8-.Ltmp11, $2  }
0x2a8: {  	_ =	sdelay $0x2  }
0x2a9: {  	s20 =	simm.s32 $0x8F80;
	s0 =	smov.u32 s18  }
.LBB2_13:
.Ltmp12:
0x2aa: {  	(pc) =	sbr.rel .LBB2_17-.Ltmp12, $2  }
0x2ab: {  	_ =	sdelay $0x2  }
0x2ac: {  	s29 =	simm.s32 $0xA000;
	s31 =	smov.u32 s7  }
.LBB2_21:
.Ltmp13:
0x2ad: {  	(pc) =	sbr.rel .LBB2_8-.Ltmp13, $2  }
0x2ae: {  	_ =	sdelay $0x2  }
0x2af: {  	s20 =	simm.s32 $0x8F80;
	s0 =	smov.u32 s18  }
.LBB2_22:
.Ltmp14:
0x2b0: {  	(pc) =	sbr.rel .LBB2_17-.Ltmp14, $2  }
0x2b1: {  	_ =	sdelay $0x2  }
0x2b2: {  	s29 =	simm.s32 $0xA000;
	s31 =	smov.u32 s7  }
.Lfunc_end2:
_tile_overlayer_lowered:
.L_overlay_start_2:
0x2b3: {  	(tag) =	ssettag $0x2  }
0x2b4: {  	s0 =	rddreg [dreg:$0x0];
	s2 =	stileid.u32  }
0x2b5: {  	s1 =	rddreg [dreg:$0x1];
	p0 =	sne.s32 s2, $0x0  }
0x2b6: {  	s3 =	rddreg [dreg:$0x2];
	[bflag:$0x3] =	sbarrier.arrive $0xFFFF;
	s2 =	simm.s32 @!p0 $0x1C02  }
0x2b7: {  	[timem:s3], [sflag:s2] =	dma.local @!p0 [hbm:s0], s1  }
0x2b8: {  	s0 =	simm.s32 @!p0 $0x2  }
0x2b9: {  	_ =	swait.ge @!p0 [sflag:s0], s1  }
0x2ba: {  	s1 =	ssub.s32 @!p0 $0x0, s1;
	[sflag:s0] =	ssyncset.done @!p0 $0x0  }
0x2bb: {  	[sflag:s0] =	ssyncadd.s32 @!p0 s1  }
0x2bc: {  	[bflag:$0x3] =	sbarrier.arrive $0xFFFF  }
0x2bd: {  	_ =	shalt  }

</sc_bundles>
